<compile_context>
chip_gen: v7x
topology: tpu7x:2x2x1
jax: 0.10.2.dev20260603
libtpu: 0.0.44.dev20260713+nightly
codegen_flags: <defaults>
</compile_context>

<pallas_src>
import functools
import math

import jax
import jax.numpy as jnp
from jax import lax
from jax.experimental import pallas as pl
from jax.experimental.pallas import tpu as pltpu
from jax.experimental.pallas import tpu_sc as plsc

N = 10000
E = 160000
DC = 16
HID = 32

NC = 2
NS = 16
NW = NC * NS
LANES = 16

NP = 10240
CBIG = 5120
CSML = 4992


def _sc_scatter(orc_p, ei):
    mesh = plsc.VectorSubcoreMesh(core_axis_name="c", subcore_axis_name="s")

    @functools.partial(
        pl.kernel,
        out_type=(
            jax.ShapeDtypeStruct((NW * NP,), jnp.float32),
            jax.ShapeDtypeStruct((NW * NP,), jnp.float32),
        ),
        mesh=mesh,
        compiler_params=pltpu.CompilerParams(
            use_tc_tiling_on_sc=True, needs_layout_passes=False),
        scratch_types=(
            pltpu.VMEM((N,), jnp.float32),
            pltpu.VMEM((2, CBIG), jnp.int32),
            pltpu.VMEM((NP,), jnp.float32),
            pltpu.VMEM((NP,), jnp.float32),
            pltpu.SemaphoreType.DMA,
            pltpu.SemaphoreType.DMA,
        ),
    )
    def sc_kernel(orc_hbm, ei_hbm, msum_hbm, cnt_hbm,
                  orc_v, uv_v, ms_v, cn_v, sem0, sem1):
        wid = lax.axis_index("s") * NC + lax.axis_index("c")
        big = wid < 2
        base = pl.multiple_of(
            jnp.where(big, wid * CBIG, 2 * CBIG + (wid - 2) * CSML), 128)
        cp0 = pltpu.async_copy(orc_hbm, orc_v, sem0)

        @pl.when(big)
        def _():
            cp1 = pltpu.async_copy(ei_hbm.at[:, pl.ds(base, CBIG)],
                                   uv_v.at[:, pl.ds(0, CBIG)], sem1)
            cp1.wait()

        @pl.when(jnp.logical_not(big))
        def _():
            cp1 = pltpu.async_copy(ei_hbm.at[:, pl.ds(base, CSML)],
                                   uv_v.at[:, pl.ds(0, CSML)], sem1)
            cp1.wait()

        zeros = jnp.zeros((LANES,), jnp.float32)
        ZUNROLL = 8

        def zero_body(i, carry):
            for k in range(ZUNROLL):
                off = (i * ZUNROLL + k) * LANES
                ms_v[pl.ds(off, LANES)] = zeros
                cn_v[pl.ds(off, LANES)] = zeros
            return carry

        lax.fori_loop(0, NP // (LANES * ZUNROLL), zero_body, 0)
        cp0.wait()

        ones = jnp.ones((LANES,), jnp.float32)

        def step(off):
            u16 = uv_v[0, pl.ds(off, LANES)]
            v16 = uv_v[1, pl.ds(off, LANES)]
            ou = plsc.load_gather(orc_v, [u16])
            ov = plsc.load_gather(orc_v, [v16])
            plsc.addupdate_scatter(ms_v, [u16], ov)
            plsc.addupdate_scatter(ms_v, [v16], ou)
            plsc.addupdate_scatter(cn_v, [u16], ones)
            plsc.addupdate_scatter(cn_v, [v16], ones)

        UNROLL = 8
        nsteps = jnp.where(big, CBIG // (UNROLL * LANES),
                           CSML // (UNROLL * LANES))

        def body(i, carry):
            for k in range(UNROLL):
                step(i * (UNROLL * LANES) + k * LANES)
            return carry

        lax.fori_loop(0, nsteps, body, 0)

        obase = pl.multiple_of(wid * NP, 128)
        st0 = pltpu.async_copy(ms_v, msum_hbm.at[pl.ds(obase, NP)], sem0)
        st1 = pltpu.async_copy(cn_v, cnt_hbm.at[pl.ds(obase, NP)], sem1)
        st0.wait()
        st1.wait()

    return sc_kernel(orc_p, ei)


def _tc_body(orc_ref, *refs):
    f32 = jnp.float32
    ms_refs = refs[:NW]
    cn_refs = refs[NW:2 * NW]
    w1_ref, b1_ref, w2_ref, b2_ref, g_ref, be_ref, out_ref = refs[2 * NW:]

    def tree_sum(vals):
        while len(vals) > 1:
            vals = [a + b for a, b in zip(vals[::2], vals[1::2])]
        return vals[0]

    msum = tree_sum([r[...] for r in ms_refs]).reshape(1, -1)
    cnt = tree_sum([r[...] for r in cn_refs]).reshape(1, -1)
    nm = jnp.where(cnt > 0, msum / jnp.where(cnt > 0, cnt, 1.0), 0.0)
    orc = orc_ref[...]
    scale = 1.0 / (2.0 + 1e-8)
    no = jnp.clip((orc + 1.0) * scale, 0.0, 1.0)
    nn = jnp.clip((nm + 1.0) * scale, 0.0, 1.0)

    j = lax.broadcasted_iota(jnp.int32, (DC, 1), 0)
    base = jnp.where(j < DC // 2, no, nn)
    freq = (((j % (DC // 2)) // 2) + 1).astype(f32) * math.pi
    ang = base * freq
    phi = jnp.where(j % 2 == 0, jnp.sin(ang), jnp.cos(ang))

    h = lax.dot_general(w1_ref[...], phi, (((1,), (0,)), ((), ())),
                        preferred_element_type=f32) + b1_ref[...]
    h = jnp.maximum(h, 0.0)
    h2 = lax.dot_general(w2_ref[...], h, (((1,), (0,)), ((), ())),
                         preferred_element_type=f32) + b2_ref[...]
    mu = jnp.mean(h2, axis=0, keepdims=True)
    d = h2 - mu
    var = jnp.mean(d * d, axis=0, keepdims=True)
    ln = d / jnp.sqrt(var + 1e-5) * g_ref[...] + be_ref[...]
    outT = ln + phi
    eye = (lax.broadcasted_iota(jnp.int32, (DC, DC), 0)
           == lax.broadcasted_iota(jnp.int32, (DC, DC), 1)).astype(f32)
    out_ref[...] = lax.dot_general(outT, eye, (((0,), (0,)), ((), ())),
                                   preferred_element_type=f32)


def _tc_dense(orc_row, msum_f, cnt_f, W1, b1, W2, b2, gamma, beta,
              interpret=False):
    C = 2048
    nb = NP // C

    def row_spec(w):
        return pl.BlockSpec((C,), lambda i, w=w: (w * nb + i,))

    return pl.pallas_call(
        _tc_body,
        grid=(nb,),
        in_specs=(
            [pl.BlockSpec((1, C), lambda i: (0, i))]
            + [row_spec(w) for w in range(NW)]
            + [row_spec(w) for w in range(NW)]
            + [
                pl.BlockSpec((HID, DC), lambda i: (0, 0)),
                pl.BlockSpec((HID, 1), lambda i: (0, 0)),
                pl.BlockSpec((DC, HID), lambda i: (0, 0)),
                pl.BlockSpec((DC, 1), lambda i: (0, 0)),
                pl.BlockSpec((DC, 1), lambda i: (0, 0)),
                pl.BlockSpec((DC, 1), lambda i: (0, 0)),
            ]
        ),
        out_specs=pl.BlockSpec((C, DC), lambda i: (i, 0)),
        out_shape=jax.ShapeDtypeStruct((N, DC), jnp.float32),
        interpret=interpret,
    )(orc_row, *([msum_f] * NW), *([cnt_f] * NW),
      W1, b1, W2, b2, gamma, beta)


def kernel(node_orc, edge_index, W1, b1, W2, b2, gamma, beta):
    msum_f, cnt_f = _sc_scatter(node_orc, edge_index)
    return _tc_dense(node_orc.reshape(1, N), msum_f, cnt_f,
                     W1, b1.reshape(HID, 1), W2, b2.reshape(DC, 1),
                     gamma.reshape(DC, 1), beta.reshape(DC, 1))

# --- scband reference (transcript-rebuilt; emitter-appended) ---
"""Pipeline reference for scband-curvature-encoding-layer-38062000177651 (READ-ONLY COPY).

The authoritative reference and input builder live on the scoring server;
editing this copy changes nothing except your own understanding.
"""

import jax, jax.numpy as jnp
import numpy as np
import math

N = 10000
E = 160000
DC = 16
HID = 32


def setup_inputs(seed: int = 0) -> dict:
    key = jax.random.key(seed)
    k1, k2, k3, k4 = jax.random.split(key, 4)
    node_orc = jax.random.uniform(k1, (N,), dtype=jnp.float32)
    edge_index = jax.random.randint(k2, (2, E), 0, N, dtype=jnp.int32)
    W1 = jax.random.normal(k3, (HID, DC), dtype=jnp.float32) * 0.05
    b1 = jnp.zeros((HID,), dtype=jnp.float32)
    W2 = jax.random.normal(k4, (DC, HID), dtype=jnp.float32) * 0.05
    b2 = jnp.zeros((DC,), dtype=jnp.float32)
    gamma = jnp.ones((DC,), dtype=jnp.float32)
    beta = jnp.zeros((DC,), dtype=jnp.float32)
    return {"node_orc": node_orc, "edge_index": edge_index, "W1": W1, "b1": b1, "W2": W2, "b2": b2, "gamma": gamma, "beta": beta}


def _cpe(orc, dC):
    # curvature_positional_encoding, dC even path (dC//2 sin/cos interleaved)
    norm = jnp.clip((orc + 1.0) / (2.0 + 1e-08), 0.0, 1.0)
    freqs = jnp.arange(1, dC // 2 + 1, dtype=jnp.float32) * math.pi
    angles = norm[:, None] * freqs[None, :]
    Phi = jnp.stack([jnp.sin(angles), jnp.cos(angles)], axis=2).reshape(orc.shape[0], dC)
    return Phi


def reference(node_orc, edge_index, W1, b1, W2, b2, gamma, beta):
    n = node_orc.shape[0]
    u = edge_index[0]
    v = edge_index[1]
    # vectorized equivalent of the per-edge python loop: undirected scatter-add
    msum = jnp.zeros((n,), dtype=node_orc.dtype).at[u].add(node_orc[v]).at[v].add(node_orc[u])
    cnt = jnp.zeros((n,), dtype=node_orc.dtype).at[u].add(1.0).at[v].add(1.0)
    neighbor_mean = jnp.where(cnt > 0, msum / jnp.where(cnt > 0, cnt, 1.0), 0.0)
    # encoding_type == 'harmonic'
    Phi_base = jnp.concatenate([_cpe(node_orc, DC // 2), _cpe(neighbor_mean, DC // 2)], axis=1)
    # learnable MLP (dropout is identity in eval), residual + LayerNorm
    h = jax.nn.relu(Phi_base @ W1.T + b1)
    h2 = h @ W2.T + b2
    mu = jnp.mean(h2, axis=-1, keepdims=True)
    var = jnp.mean((h2 - mu) ** 2, axis=-1, keepdims=True)
    ln = (h2 - mu) / jnp.sqrt(var + 1e-05) * gamma + beta
    return ln + Phi_base

if __name__ == "__main__":
    import jax
    _d = setup_inputs()
    print(jax.jit(kernel)(*tuple(_d.values())))

</pallas_src>

<mosaic_0001>
#map = affine_map<(d0, d1) -> (0)>
#map1 = affine_map<(d0, d1) -> (0, 0)>
module attributes {stable_mosaic.version = 14 : i64} {
  func.func @sc_kernel(%arg0: i32, %arg1: i32, %arg2: memref<10000xf32, #tpu.memory_space<hbm>>, %arg3: memref<2x160000xi32, #tpu.memory_space<hbm>>, %arg4: memref<327680xf32, #tpu.memory_space<hbm>>, %arg5: memref<327680xf32, #tpu.memory_space<hbm>>, %arg6: memref<10000xf32, #tpu.memory_space<vmem>>, %arg7: memref<2x5120xi32, #tpu.memory_space<vmem>>, %arg8: memref<10240xf32, #tpu.memory_space<vmem>>, %arg9: memref<10240xf32, #tpu.memory_space<vmem>>, %arg10: memref<!tpu.dma_semaphore, #tpu.memory_space<semaphore_mem>>, %arg11: memref<!tpu.dma_semaphore, #tpu.memory_space<semaphore_mem>>) attributes {dimension_semantics = [#tpu.dimension_semantics<core_parallel>, #tpu.dimension_semantics<subcore_parallel>], iteration_bounds = array<i64: 2, 16>, scalar_prefetch = 0 : i64, scratch_operands = 6 : i64, tpu.core_type = #tpu.core_type<sc_vector_subcore>, window_params = [{transform_indices = #map}, {transform_indices = #map1}, {transform_indices = #map}, {transform_indices = #map}]} {
    %mul3A = arith.constant 2 : i32
    %mul3A_0 = arith.muli %arg1, %mul3A : i32
    %add3A = arith.addi %mul3A_0, %arg0 : i32
    %lt3A = arith.constant 2 : i32
    %lt3A_1 = arith.cmpi slt, %add3A, %lt3A : i32
    %mul3A_2 = arith.constant 5120 : i32
    %mul3A_3 = arith.muli %add3A, %mul3A_2 : i32
    %sub3A = arith.constant 2 : i32
    %sub3A_4 = arith.subi %add3A, %sub3A : i32
    %mul3A_5 = arith.constant 4992 : i32
    %mul3A_6 = arith.muli %sub3A_4, %mul3A_5 : i32
    %add3A_7 = arith.constant 10240 : i32
    %add3A_8 = arith.addi %add3A_7, %mul3A_6 : i32
    %select_n3A = arith.select %lt3A_1, %mul3A_3, %add3A_8 : i32
    %multiple_of3A = tpu.assume_multiple %select_n3A, 128 : i32
    tpu.enqueue_dma source(%arg2 : memref<10000xf32, #tpu.memory_space<hbm>>) target(%arg6 : memref<10000xf32, #tpu.memory_space<vmem>>) target_semaphore(%arg10 : memref<!tpu.dma_semaphore, #tpu.memory_space<semaphore_mem>>)
    %convert_element_type3A = arith.extui %lt3A_1 : i1 to i32
    %cond3A = arith.constant 0 : i32
    %cond3A_9 = arith.cmpi ne, %convert_element_type3A, %cond3A : i32
    scf.if %cond3A_9 {
      %dma_start3A_42 = arith.constant 0 : i32
      %dma_start3A_43 = arith.constant 0 : i32
      %dma_start3A_44 = tpu.memref_slice %arg7[%dma_start3A_42, %dma_start3A_43] : memref<2x5120xi32, #tpu.memory_space<vmem>> -> memref<2x5120xi32, #tpu.memory_space<vmem>>
      %dma_start3A_45 = arith.constant 0 : i32
      %dma_start3A_46 = tpu.memref_slice %arg3[%dma_start3A_45, %multiple_of3A] : memref<2x160000xi32, #tpu.memory_space<hbm>> -> memref<2x5120xi32, #tpu.memory_space<hbm>>
      %dma_start3A_47 = arith.constant 0 : i32
      %dma_start3A_48 = arith.constant 0 : i32
      %dma_start3A_49 = tpu.memref_slice %arg7[%dma_start3A_47, %dma_start3A_48] : memref<2x5120xi32, #tpu.memory_space<vmem>> -> memref<2x5120xi32, #tpu.memory_space<vmem>>
      %dma_start3A_50 = arith.constant 0 : i32
      %dma_start3A_51 = tpu.memref_slice %arg3[%dma_start3A_50, %multiple_of3A] : memref<2x160000xi32, #tpu.memory_space<hbm>> -> memref<2x5120xi32, #tpu.memory_space<hbm>>
      tpu.enqueue_dma source(%dma_start3A_51 : memref<2x5120xi32, #tpu.memory_space<hbm>>) target(%dma_start3A_49 : memref<2x5120xi32, #tpu.memory_space<vmem>>) target_semaphore(%arg11 : memref<!tpu.dma_semaphore, #tpu.memory_space<semaphore_mem>>)
      %dma_wait3A_52 = arith.constant 0 : i32
      %dma_wait3A_53 = arith.constant 0 : i32
      %dma_wait3A_54 = tpu.memref_slice %arg7[%dma_wait3A_52, %dma_wait3A_53] : memref<2x5120xi32, #tpu.memory_space<vmem>> -> memref<2x5120xi32, #tpu.memory_space<vmem>>
      %dma_wait3A_55 = arith.constant 0 : i32
      %dma_wait3A_56 = tpu.memref_slice %arg3[%dma_wait3A_55, %multiple_of3A] : memref<2x160000xi32, #tpu.memory_space<hbm>> -> memref<2x5120xi32, #tpu.memory_space<hbm>>
      %dma_wait3A_57 = arith.constant 0 : i32
      %dma_wait3A_58 = arith.constant 0 : i32
      %dma_wait3A_59 = tpu.memref_slice %arg7[%dma_wait3A_57, %dma_wait3A_58] : memref<2x5120xi32, #tpu.memory_space<vmem>> -> memref<2x5120xi32, #tpu.memory_space<vmem>>
      %dma_wait3A_60 = arith.constant 0 : i32
      %dma_wait3A_61 = tpu.memref_slice %arg3[%dma_wait3A_60, %multiple_of3A] : memref<2x160000xi32, #tpu.memory_space<hbm>> -> memref<2x5120xi32, #tpu.memory_space<hbm>>
      tpu.wait_dma2 semaphore(%arg11 : memref<!tpu.dma_semaphore, #tpu.memory_space<semaphore_mem>>) src(%dma_wait3A_61 : memref<2x5120xi32, #tpu.memory_space<hbm>>) dst(%dma_wait3A_59 : memref<2x5120xi32, #tpu.memory_space<vmem>>)
    } else {
    }
    %not3A = arith.constant true
    %not3A_10 = arith.xori %lt3A_1, %not3A : i1
    %convert_element_type3A_11 = arith.extui %not3A_10 : i1 to i32
    %cond3A_12 = arith.constant 0 : i32
    %cond3A_13 = arith.cmpi ne, %convert_element_type3A_11, %cond3A_12 : i32
    scf.if %cond3A_13 {
      %dma_start3A_42 = arith.constant 0 : i32
      %dma_start3A_43 = arith.constant 0 : i32
      %dma_start3A_44 = tpu.memref_slice %arg7[%dma_start3A_42, %dma_start3A_43] : memref<2x5120xi32, #tpu.memory_space<vmem>> -> memref<2x4992xi32, #tpu.memory_space<vmem>>
      %dma_start3A_45 = arith.constant 0 : i32
      %dma_start3A_46 = tpu.memref_slice %arg3[%dma_start3A_45, %multiple_of3A] : memref<2x160000xi32, #tpu.memory_space<hbm>> -> memref<2x4992xi32, #tpu.memory_space<hbm>>
      %dma_start3A_47 = arith.constant 0 : i32
      %dma_start3A_48 = arith.constant 0 : i32
      %dma_start3A_49 = tpu.memref_slice %arg7[%dma_start3A_47, %dma_start3A_48] : memref<2x5120xi32, #tpu.memory_space<vmem>> -> memref<2x4992xi32, #tpu.memory_space<vmem>>
      %dma_start3A_50 = arith.constant 0 : i32
      %dma_start3A_51 = tpu.memref_slice %arg3[%dma_start3A_50, %multiple_of3A] : memref<2x160000xi32, #tpu.memory_space<hbm>> -> memref<2x4992xi32, #tpu.memory_space<hbm>>
      tpu.enqueue_dma source(%dma_start3A_51 : memref<2x4992xi32, #tpu.memory_space<hbm>>) target(%dma_start3A_49 : memref<2x4992xi32, #tpu.memory_space<vmem>>) target_semaphore(%arg11 : memref<!tpu.dma_semaphore, #tpu.memory_space<semaphore_mem>>)
      %dma_wait3A_52 = arith.constant 0 : i32
      %dma_wait3A_53 = arith.constant 0 : i32
      %dma_wait3A_54 = tpu.memref_slice %arg7[%dma_wait3A_52, %dma_wait3A_53] : memref<2x5120xi32, #tpu.memory_space<vmem>> -> memref<2x4992xi32, #tpu.memory_space<vmem>>
      %dma_wait3A_55 = arith.constant 0 : i32
      %dma_wait3A_56 = tpu.memref_slice %arg3[%dma_wait3A_55, %multiple_of3A] : memref<2x160000xi32, #tpu.memory_space<hbm>> -> memref<2x4992xi32, #tpu.memory_space<hbm>>
      %dma_wait3A_57 = arith.constant 0 : i32
      %dma_wait3A_58 = arith.constant 0 : i32
      %dma_wait3A_59 = tpu.memref_slice %arg7[%dma_wait3A_57, %dma_wait3A_58] : memref<2x5120xi32, #tpu.memory_space<vmem>> -> memref<2x4992xi32, #tpu.memory_space<vmem>>
      %dma_wait3A_60 = arith.constant 0 : i32
      %dma_wait3A_61 = tpu.memref_slice %arg3[%dma_wait3A_60, %multiple_of3A] : memref<2x160000xi32, #tpu.memory_space<hbm>> -> memref<2x4992xi32, #tpu.memory_space<hbm>>
      tpu.wait_dma2 semaphore(%arg11 : memref<!tpu.dma_semaphore, #tpu.memory_space<semaphore_mem>>) src(%dma_wait3A_61 : memref<2x4992xi32, #tpu.memory_space<hbm>>) dst(%dma_wait3A_59 : memref<2x4992xi32, #tpu.memory_space<vmem>>)
    } else {
    }
    %broadcast_in_dim3A = arith.constant 0.000000e+00 : f32
    %broadcast_in_dim3A_14 = vector.broadcast %broadcast_in_dim3A : f32 to vector<16xf32>
    %scan3A = arith.constant 0 : i32
    %scan3A_15 = arith.constant 0 : i32
    %scan3A_16 = arith.constant 80 : i32
    %scan3A_17 = arith.addi %scan3A_15, %scan3A_16 : i32
    %scan3A_18 = arith.constant 1 : i32
    scf.for %scan3A_42 = %scan3A_15 to %scan3A_17 step %scan3A_18  : i32 {
      %mul3A_43 = arith.constant 8 : i32
      %mul3A_44 = arith.muli %scan3A_42, %mul3A_43 : i32
      %add3A_45 = arith.constant 0 : i32
      %add3A_46 = arith.addi %mul3A_44, %add3A_45 : i32
      %mul3A_47 = arith.constant 16 : i32
      %mul3A_48 = arith.muli %add3A_46, %mul3A_47 : i32
      %swap3A = arith.index_cast %mul3A_48 : i32 to index
      %swap3A_49 = tpu.vector_load %arg8[%swap3A] {strides = array<i32>} : memref<10240xf32, #tpu.memory_space<vmem>>, vector<16xf32>,
      tpu.vector_store %arg8[%swap3A], %broadcast_in_dim3A_14 {strides = array<i32>} : memref<10240xf32, #tpu.memory_space<vmem>>, vector<16xf32>,
      %swap3A_50 = arith.index_cast %mul3A_48 : i32 to index
      %swap3A_51 = tpu.vector_load %arg9[%swap3A_50] {strides = array<i32>} : memref<10240xf32, #tpu.memory_space<vmem>>, vector<16xf32>,
      tpu.vector_store %arg9[%swap3A_50], %broadcast_in_dim3A_14 {strides = array<i32>} : memref<10240xf32, #tpu.memory_space<vmem>>, vector<16xf32>,
      %mul3A_52 = arith.constant 8 : i32
      %mul3A_53 = arith.muli %scan3A_42, %mul3A_52 : i32
      %add3A_54 = arith.constant 1 : i32
      %add3A_55 = arith.addi %mul3A_53, %add3A_54 : i32
      %mul3A_56 = arith.constant 16 : i32
      %mul3A_57 = arith.muli %add3A_55, %mul3A_56 : i32
      %swap3A_58 = arith.index_cast %mul3A_57 : i32 to index
      %swap3A_59 = tpu.vector_load %arg8[%swap3A_58] {strides = array<i32>} : memref<10240xf32, #tpu.memory_space<vmem>>, vector<16xf32>,
      tpu.vector_store %arg8[%swap3A_58], %broadcast_in_dim3A_14 {strides = array<i32>} : memref<10240xf32, #tpu.memory_space<vmem>>, vector<16xf32>,
      %swap3A_60 = arith.index_cast %mul3A_57 : i32 to index
      %swap3A_61 = tpu.vector_load %arg9[%swap3A_60] {strides = array<i32>} : memref<10240xf32, #tpu.memory_space<vmem>>, vector<16xf32>,
      tpu.vector_store %arg9[%swap3A_60], %broadcast_in_dim3A_14 {strides = array<i32>} : memref<10240xf32, #tpu.memory_space<vmem>>, vector<16xf32>,
      %mul3A_62 = arith.constant 8 : i32
      %mul3A_63 = arith.muli %scan3A_42, %mul3A_62 : i32
      %add3A_64 = arith.constant 2 : i32
      %add3A_65 = arith.addi %mul3A_63, %add3A_64 : i32
      %mul3A_66 = arith.constant 16 : i32
      %mul3A_67 = arith.muli %add3A_65, %mul3A_66 : i32
      %swap3A_68 = arith.index_cast %mul3A_67 : i32 to index
      %swap3A_69 = tpu.vector_load %arg8[%swap3A_68] {strides = array<i32>} : memref<10240xf32, #tpu.memory_space<vmem>>, vector<16xf32>,
      tpu.vector_store %arg8[%swap3A_68], %broadcast_in_dim3A_14 {strides = array<i32>} : memref<10240xf32, #tpu.memory_space<vmem>>, vector<16xf32>,
      %swap3A_70 = arith.index_cast %mul3A_67 : i32 to index
      %swap3A_71 = tpu.vector_load %arg9[%swap3A_70] {strides = array<i32>} : memref<10240xf32, #tpu.memory_space<vmem>>, vector<16xf32>,
      tpu.vector_store %arg9[%swap3A_70], %broadcast_in_dim3A_14 {strides = array<i32>} : memref<10240xf32, #tpu.memory_space<vmem>>, vector<16xf32>,
      %mul3A_72 = arith.constant 8 : i32
      %mul3A_73 = arith.muli %scan3A_42, %mul3A_72 : i32
      %add3A_74 = arith.constant 3 : i32
      %add3A_75 = arith.addi %mul3A_73, %add3A_74 : i32
      %mul3A_76 = arith.constant 16 : i32
      %mul3A_77 = arith.muli %add3A_75, %mul3A_76 : i32
      %swap3A_78 = arith.index_cast %mul3A_77 : i32 to index
      %swap3A_79 = tpu.vector_load %arg8[%swap3A_78] {strides = array<i32>} : memref<10240xf32, #tpu.memory_space<vmem>>, vector<16xf32>,
      tpu.vector_store %arg8[%swap3A_78], %broadcast_in_dim3A_14 {strides = array<i32>} : memref<10240xf32, #tpu.memory_space<vmem>>, vector<16xf32>,
      %swap3A_80 = arith.index_cast %mul3A_77 : i32 to index
      %swap3A_81 = tpu.vector_load %arg9[%swap3A_80] {strides = array<i32>} : memref<10240xf32, #tpu.memory_space<vmem>>, vector<16xf32>,
      tpu.vector_store %arg9[%swap3A_80], %broadcast_in_dim3A_14 {strides = array<i32>} : memref<10240xf32, #tpu.memory_space<vmem>>, vector<16xf32>,
      %mul3A_82 = arith.constant 8 : i32
      %mul3A_83 = arith.muli %scan3A_42, %mul3A_82 : i32
      %add3A_84 = arith.constant 4 : i32
      %add3A_85 = arith.addi %mul3A_83, %add3A_84 : i32
      %mul3A_86 = arith.constant 16 : i32
      %mul3A_87 = arith.muli %add3A_85, %mul3A_86 : i32
      %swap3A_88 = arith.index_cast %mul3A_87 : i32 to index
      %swap3A_89 = tpu.vector_load %arg8[%swap3A_88] {strides = array<i32>} : memref<10240xf32, #tpu.memory_space<vmem>>, vector<16xf32>,
      tpu.vector_store %arg8[%swap3A_88], %broadcast_in_dim3A_14 {strides = array<i32>} : memref<10240xf32, #tpu.memory_space<vmem>>, vector<16xf32>,
      %swap3A_90 = arith.index_cast %mul3A_87 : i32 to index
      %swap3A_91 = tpu.vector_load %arg9[%swap3A_90] {strides = array<i32>} : memref<10240xf32, #tpu.memory_space<vmem>>, vector<16xf32>,
      tpu.vector_store %arg9[%swap3A_90], %broadcast_in_dim3A_14 {strides = array<i32>} : memref<10240xf32, #tpu.memory_space<vmem>>, vector<16xf32>,
      %mul3A_92 = arith.constant 8 : i32
      %mul3A_93 = arith.muli %scan3A_42, %mul3A_92 : i32
      %add3A_94 = arith.constant 5 : i32
      %add3A_95 = arith.addi %mul3A_93, %add3A_94 : i32
      %mul3A_96 = arith.constant 16 : i32
      %mul3A_97 = arith.muli %add3A_95, %mul3A_96 : i32
      %swap3A_98 = arith.index_cast %mul3A_97 : i32 to index
      %swap3A_99 = tpu.vector_load %arg8[%swap3A_98] {strides = array<i32>} : memref<10240xf32, #tpu.memory_space<vmem>>, vector<16xf32>,
      tpu.vector_store %arg8[%swap3A_98], %broadcast_in_dim3A_14 {strides = array<i32>} : memref<10240xf32, #tpu.memory_space<vmem>>, vector<16xf32>,
      %swap3A_100 = arith.index_cast %mul3A_97 : i32 to index
      %swap3A_101 = tpu.vector_load %arg9[%swap3A_100] {strides = array<i32>} : memref<10240xf32, #tpu.memory_space<vmem>>, vector<16xf32>,
      tpu.vector_store %arg9[%swap3A_100], %broadcast_in_dim3A_14 {strides = array<i32>} : memref<10240xf32, #tpu.memory_space<vmem>>, vector<16xf32>,
      %mul3A_102 = arith.constant 8 : i32
      %mul3A_103 = arith.muli %scan3A_42, %mul3A_102 : i32
      %add3A_104 = arith.constant 6 : i32
      %add3A_105 = arith.addi %mul3A_103, %add3A_104 : i32
      %mul3A_106 = arith.constant 16 : i32
      %mul3A_107 = arith.muli %add3A_105, %mul3A_106 : i32
      %swap3A_108 = arith.index_cast %mul3A_107 : i32 to index
      %swap3A_109 = tpu.vector_load %arg8[%swap3A_108] {strides = array<i32>} : memref<10240xf32, #tpu.memory_space<vmem>>, vector<16xf32>,
      tpu.vector_store %arg8[%swap3A_108], %broadcast_in_dim3A_14 {strides = array<i32>} : memref<10240xf32, #tpu.memory_space<vmem>>, vector<16xf32>,
      %swap3A_110 = arith.index_cast %mul3A_107 : i32 to index
      %swap3A_111 = tpu.vector_load %arg9[%swap3A_110] {strides = array<i32>} : memref<10240xf32, #tpu.memory_space<vmem>>, vector<16xf32>,
      tpu.vector_store %arg9[%swap3A_110], %broadcast_in_dim3A_14 {strides = array<i32>} : memref<10240xf32, #tpu.memory_space<vmem>>, vector<16xf32>,
      %mul3A_112 = arith.constant 8 : i32
      %mul3A_113 = arith.muli %scan3A_42, %mul3A_112 : i32
      %add3A_114 = arith.constant 7 : i32
      %add3A_115 = arith.addi %mul3A_113, %add3A_114 : i32
      %mul3A_116 = arith.constant 16 : i32
      %mul3A_117 = arith.muli %add3A_115, %mul3A_116 : i32
      %swap3A_118 = arith.index_cast %mul3A_117 : i32 to index
      %swap3A_119 = tpu.vector_load %arg8[%swap3A_118] {strides = array<i32>} : memref<10240xf32, #tpu.memory_space<vmem>>, vector<16xf32>,
      tpu.vector_store %arg8[%swap3A_118], %broadcast_in_dim3A_14 {strides = array<i32>} : memref<10240xf32, #tpu.memory_space<vmem>>, vector<16xf32>,
      %swap3A_120 = arith.index_cast %mul3A_117 : i32 to index
      %swap3A_121 = tpu.vector_load %arg9[%swap3A_120] {strides = array<i32>} : memref<10240xf32, #tpu.memory_space<vmem>>, vector<16xf32>,
      tpu.vector_store %arg9[%swap3A_120], %broadcast_in_dim3A_14 {strides = array<i32>} : memref<10240xf32, #tpu.memory_space<vmem>>, vector<16xf32>,
    }
    %scan3A_19 = arith.constant 80 : i32
    tpu.wait_dma2 semaphore(%arg10 : memref<!tpu.dma_semaphore, #tpu.memory_space<semaphore_mem>>) src(%arg2 : memref<10000xf32, #tpu.memory_space<hbm>>) dst(%arg6 : memref<10000xf32, #tpu.memory_space<vmem>>)
    %broadcast_in_dim3A_20 = arith.constant 1.000000e+00 : f32
    %broadcast_in_dim3A_21 = vector.broadcast %broadcast_in_dim3A_20 : f32 to vector<16xf32>
    %jit3A = arith.constant 40 : i32
    %jit3A_22 = arith.constant 39 : i32
    %select_n3A_23 = arith.select %lt3A_1, %jit3A, %jit3A_22 : i32
    %while3A = arith.constant 0 : i32
    %while3A_24 = arith.constant 0 : i32
    %while3A_25 = arith.subi %select_n3A_23, %while3A_24 : i32
    %while3A_26 = arith.addi %while3A_24, %while3A_25 : i32
    %while3A_27 = arith.constant 1 : i32
    %while3A_28 = arith.divsi %while3A_25, %while3A_27 : i32
    %while3A_29 = arith.muli %while3A_28, %while3A_27 : i32
    %while3A_30 = arith.addi %while3A_24, %while3A_29 : i32
    %while3A_31 = arith.constant 1 : i32
    scf.for %while3A_42 = %while3A_24 to %while3A_30 step %while3A_31  : i32 {
      %mul3A_43 = arith.constant 128 : i32
      %mul3A_44 = arith.muli %while3A_42, %mul3A_43 : i32
      %add3A_45 = arith.constant 0 : i32
      %add3A_46 = arith.addi %mul3A_44, %add3A_45 : i32
      %get3A = arith.constant 0 : i32
      %get3A_47 = arith.index_cast %get3A : i32 to index
      %get3A_48 = arith.index_cast %add3A_46 : i32 to index
      %get3A_49 = tpu.vector_load %arg7[%get3A_47, %get3A_48] {strides = array<i32>} : memref<2x5120xi32, #tpu.memory_space<vmem>>, vector<16xi32>,
      %get3A_50 = arith.constant 1 : i32
      %get3A_51 = arith.index_cast %get3A_50 : i32 to index
      %get3A_52 = arith.index_cast %add3A_46 : i32 to index
      %get3A_53 = tpu.vector_load %arg7[%get3A_51, %get3A_52] {strides = array<i32>} : memref<2x5120xi32, #tpu.memory_space<vmem>>, vector<16xi32>,
      %gather3A = tpu.vector_load_idx %arg6[%get3A_49] : memref<10000xf32, #tpu.memory_space<vmem>>[vector<16xi32>], vector<16xf32>,
      %gather3A_54 = tpu.vector_load_idx %arg6[%get3A_53] : memref<10000xf32, #tpu.memory_space<vmem>>[vector<16xi32>], vector<16xf32>,
      tpu.vector_store_idx %arg8[%get3A_49], %gather3A_54 {add = true} : memref<10240xf32, #tpu.memory_space<vmem>>[vector<16xi32>], vector<16xf32>,
      tpu.vector_store_idx %arg8[%get3A_53], %gather3A {add = true} : memref<10240xf32, #tpu.memory_space<vmem>>[vector<16xi32>], vector<16xf32>,
      tpu.vector_store_idx %arg9[%get3A_49], %broadcast_in_dim3A_21 {add = true} : memref<10240xf32, #tpu.memory_space<vmem>>[vector<16xi32>], vector<16xf32>,
      tpu.vector_store_idx %arg9[%get3A_53], %broadcast_in_dim3A_21 {add = true} : memref<10240xf32, #tpu.memory_space<vmem>>[vector<16xi32>], vector<16xf32>,
      %mul3A_55 = arith.constant 128 : i32
      %mul3A_56 = arith.muli %while3A_42, %mul3A_55 : i32
      %add3A_57 = arith.constant 16 : i32
      %add3A_58 = arith.addi %mul3A_56, %add3A_57 : i32
      %get3A_59 = arith.constant 0 : i32
      %get3A_60 = arith.index_cast %get3A_59 : i32 to index
      %get3A_61 = arith.index_cast %add3A_58 : i32 to index
      %get3A_62 = tpu.vector_load %arg7[%get3A_60, %get3A_61] {strides = array<i32>} : memref<2x5120xi32, #tpu.memory_space<vmem>>, vector<16xi32>,
      %get3A_63 = arith.constant 1 : i32
      %get3A_64 = arith.index_cast %get3A_63 : i32 to index
      %get3A_65 = arith.index_cast %add3A_58 : i32 to index
      %get3A_66 = tpu.vector_load %arg7[%get3A_64, %get3A_65] {strides = array<i32>} : memref<2x5120xi32, #tpu.memory_space<vmem>>, vector<16xi32>,
      %gather3A_67 = tpu.vector_load_idx %arg6[%get3A_62] : memref<10000xf32, #tpu.memory_space<vmem>>[vector<16xi32>], vector<16xf32>,
      %gather3A_68 = tpu.vector_load_idx %arg6[%get3A_66] : memref<10000xf32, #tpu.memory_space<vmem>>[vector<16xi32>], vector<16xf32>,
      tpu.vector_store_idx %arg8[%get3A_62], %gather3A_68 {add = true} : memref<10240xf32, #tpu.memory_space<vmem>>[vector<16xi32>], vector<16xf32>,
      tpu.vector_store_idx %arg8[%get3A_66], %gather3A_67 {add = true} : memref<10240xf32, #tpu.memory_space<vmem>>[vector<16xi32>], vector<16xf32>,
      tpu.vector_store_idx %arg9[%get3A_62], %broadcast_in_dim3A_21 {add = true} : memref<10240xf32, #tpu.memory_space<vmem>>[vector<16xi32>], vector<16xf32>,
      tpu.vector_store_idx %arg9[%get3A_66], %broadcast_in_dim3A_21 {add = true} : memref<10240xf32, #tpu.memory_space<vmem>>[vector<16xi32>], vector<16xf32>,
      %mul3A_69 = arith.constant 128 : i32
      %mul3A_70 = arith.muli %while3A_42, %mul3A_69 : i32
      %add3A_71 = arith.constant 32 : i32
      %add3A_72 = arith.addi %mul3A_70, %add3A_71 : i32
      %get3A_73 = arith.constant 0 : i32
      %get3A_74 = arith.index_cast %get3A_73 : i32 to index
      %get3A_75 = arith.index_cast %add3A_72 : i32 to index
      %get3A_76 = tpu.vector_load %arg7[%get3A_74, %get3A_75] {strides = array<i32>} : memref<2x5120xi32, #tpu.memory_space<vmem>>, vector<16xi32>,
      %get3A_77 = arith.constant 1 : i32
      %get3A_78 = arith.index_cast %get3A_77 : i32 to index
      %get3A_79 = arith.index_cast %add3A_72 : i32 to index
      %get3A_80 = tpu.vector_load %arg7[%get3A_78, %get3A_79] {strides = array<i32>} : memref<2x5120xi32, #tpu.memory_space<vmem>>, vector<16xi32>,
      %gather3A_81 = tpu.vector_load_idx %arg6[%get3A_76] : memref<10000xf32, #tpu.memory_space<vmem>>[vector<16xi32>], vector<16xf32>,
      %gather3A_82 = tpu.vector_load_idx %arg6[%get3A_80] : memref<10000xf32, #tpu.memory_space<vmem>>[vector<16xi32>], vector<16xf32>,
      tpu.vector_store_idx %arg8[%get3A_76], %gather3A_82 {add = true} : memref<10240xf32, #tpu.memory_space<vmem>>[vector<16xi32>], vector<16xf32>,
      tpu.vector_store_idx %arg8[%get3A_80], %gather3A_81 {add = true} : memref<10240xf32, #tpu.memory_space<vmem>>[vector<16xi32>], vector<16xf32>,
      tpu.vector_store_idx %arg9[%get3A_76], %broadcast_in_dim3A_21 {add = true} : memref<10240xf32, #tpu.memory_space<vmem>>[vector<16xi32>], vector<16xf32>,
      tpu.vector_store_idx %arg9[%get3A_80], %broadcast_in_dim3A_21 {add = true} : memref<10240xf32, #tpu.memory_space<vmem>>[vector<16xi32>], vector<16xf32>,
      %mul3A_83 = arith.constant 128 : i32
      %mul3A_84 = arith.muli %while3A_42, %mul3A_83 : i32
      %add3A_85 = arith.constant 48 : i32
      %add3A_86 = arith.addi %mul3A_84, %add3A_85 : i32
      %get3A_87 = arith.constant 0 : i32
      %get3A_88 = arith.index_cast %get3A_87 : i32 to index
      %get3A_89 = arith.index_cast %add3A_86 : i32 to index
      %get3A_90 = tpu.vector_load %arg7[%get3A_88, %get3A_89] {strides = array<i32>} : memref<2x5120xi32, #tpu.memory_space<vmem>>, vector<16xi32>,
      %get3A_91 = arith.constant 1 : i32
      %get3A_92 = arith.index_cast %get3A_91 : i32 to index
      %get3A_93 = arith.index_cast %add3A_86 : i32 to index
      %get3A_94 = tpu.vector_load %arg7[%get3A_92, %get3A_93] {strides = array<i32>} : memref<2x5120xi32, #tpu.memory_space<vmem>>, vector<16xi32>,
      %gather3A_95 = tpu.vector_load_idx %arg6[%get3A_90] : memref<10000xf32, #tpu.memory_space<vmem>>[vector<16xi32>], vector<16xf32>,
      %gather3A_96 = tpu.vector_load_idx %arg6[%get3A_94] : memref<10000xf32, #tpu.memory_space<vmem>>[vector<16xi32>], vector<16xf32>,
      tpu.vector_store_idx %arg8[%get3A_90], %gather3A_96 {add = true} : memref<10240xf32, #tpu.memory_space<vmem>>[vector<16xi32>], vector<16xf32>,
      tpu.vector_store_idx %arg8[%get3A_94], %gather3A_95 {add = true} : memref<10240xf32, #tpu.memory_space<vmem>>[vector<16xi32>], vector<16xf32>,
      tpu.vector_store_idx %arg9[%get3A_90], %broadcast_in_dim3A_21 {add = true} : memref<10240xf32, #tpu.memory_space<vmem>>[vector<16xi32>], vector<16xf32>,
      tpu.vector_store_idx %arg9[%get3A_94], %broadcast_in_dim3A_21 {add = true} : memref<10240xf32, #tpu.memory_space<vmem>>[vector<16xi32>], vector<16xf32>,
      %mul3A_97 = arith.constant 128 : i32
      %mul3A_98 = arith.muli %while3A_42, %mul3A_97 : i32
      %add3A_99 = arith.constant 64 : i32
      %add3A_100 = arith.addi %mul3A_98, %add3A_99 : i32
      %get3A_101 = arith.constant 0 : i32
      %get3A_102 = arith.index_cast %get3A_101 : i32 to index
      %get3A_103 = arith.index_cast %add3A_100 : i32 to index
      %get3A_104 = tpu.vector_load %arg7[%get3A_102, %get3A_103] {strides = array<i32>} : memref<2x5120xi32, #tpu.memory_space<vmem>>, vector<16xi32>,
      %get3A_105 = arith.constant 1 : i32
      %get3A_106 = arith.index_cast %get3A_105 : i32 to index
      %get3A_107 = arith.index_cast %add3A_100 : i32 to index
      %get3A_108 = tpu.vector_load %arg7[%get3A_106, %get3A_107] {strides = array<i32>} : memref<2x5120xi32, #tpu.memory_space<vmem>>, vector<16xi32>,
      %gather3A_109 = tpu.vector_load_idx %arg6[%get3A_104] : memref<10000xf32, #tpu.memory_space<vmem>>[vector<16xi32>], vector<16xf32>,
      %gather3A_110 = tpu.vector_load_idx %arg6[%get3A_108] : memref<10000xf32, #tpu.memory_space<vmem>>[vector<16xi32>], vector<16xf32>,
      tpu.vector_store_idx %arg8[%get3A_104], %gather3A_110 {add = true} : memref<10240xf32, #tpu.memory_space<vmem>>[vector<16xi32>], vector<16xf32>,
      tpu.vector_store_idx %arg8[%get3A_108], %gather3A_109 {add = true} : memref<10240xf32, #tpu.memory_space<vmem>>[vector<16xi32>], vector<16xf32>,
      tpu.vector_store_idx %arg9[%get3A_104], %broadcast_in_dim3A_21 {add = true} : memref<10240xf32, #tpu.memory_space<vmem>>[vector<16xi32>], vector<16xf32>,
      tpu.vector_store_idx %arg9[%get3A_108], %broadcast_in_dim3A_21 {add = true} : memref<10240xf32, #tpu.memory_space<vmem>>[vector<16xi32>], vector<16xf32>,
      %mul3A_111 = arith.constant 128 : i32
      %mul3A_112 = arith.muli %while3A_42, %mul3A_111 : i32
      %add3A_113 = arith.constant 80 : i32
      %add3A_114 = arith.addi %mul3A_112, %add3A_113 : i32
      %get3A_115 = arith.constant 0 : i32
      %get3A_116 = arith.index_cast %get3A_115 : i32 to index
      %get3A_117 = arith.index_cast %add3A_114 : i32 to index
      %get3A_118 = tpu.vector_load %arg7[%get3A_116, %get3A_117] {strides = array<i32>} : memref<2x5120xi32, #tpu.memory_space<vmem>>, vector<16xi32>,
      %get3A_119 = arith.constant 1 : i32
      %get3A_120 = arith.index_cast %get3A_119 : i32 to index
      %get3A_121 = arith.index_cast %add3A_114 : i32 to index
      %get3A_122 = tpu.vector_load %arg7[%get3A_120, %get3A_121] {strides = array<i32>} : memref<2x5120xi32, #tpu.memory_space<vmem>>, vector<16xi32>,
      %gather3A_123 = tpu.vector_load_idx %arg6[%get3A_118] : memref<10000xf32, #tpu.memory_space<vmem>>[vector<16xi32>], vector<16xf32>,
      %gather3A_124 = tpu.vector_load_idx %arg6[%get3A_122] : memref<10000xf32, #tpu.memory_space<vmem>>[vector<16xi32>], vector<16xf32>,
      tpu.vector_store_idx %arg8[%get3A_118], %gather3A_124 {add = true} : memref<10240xf32, #tpu.memory_space<vmem>>[vector<16xi32>], vector<16xf32>,
      tpu.vector_store_idx %arg8[%get3A_122], %gather3A_123 {add = true} : memref<10240xf32, #tpu.memory_space<vmem>>[vector<16xi32>], vector<16xf32>,
      tpu.vector_store_idx %arg9[%get3A_118], %broadcast_in_dim3A_21 {add = true} : memref<10240xf32, #tpu.memory_space<vmem>>[vector<16xi32>], vector<16xf32>,
      tpu.vector_store_idx %arg9[%get3A_122], %broadcast_in_dim3A_21 {add = true} : memref<10240xf32, #tpu.memory_space<vmem>>[vector<16xi32>], vector<16xf32>,
      %mul3A_125 = arith.constant 128 : i32
      %mul3A_126 = arith.muli %while3A_42, %mul3A_125 : i32
      %add3A_127 = arith.constant 96 : i32
      %add3A_128 = arith.addi %mul3A_126, %add3A_127 : i32
      %get3A_129 = arith.constant 0 : i32
      %get3A_130 = arith.index_cast %get3A_129 : i32 to index
      %get3A_131 = arith.index_cast %add3A_128 : i32 to index
      %get3A_132 = tpu.vector_load %arg7[%get3A_130, %get3A_131] {strides = array<i32>} : memref<2x5120xi32, #tpu.memory_space<vmem>>, vector<16xi32>,
      %get3A_133 = arith.constant 1 : i32
      %get3A_134 = arith.index_cast %get3A_133 : i32 to index
      %get3A_135 = arith.index_cast %add3A_128 : i32 to index
      %get3A_136 = tpu.vector_load %arg7[%get3A_134, %get3A_135] {strides = array<i32>} : memref<2x5120xi32, #tpu.memory_space<vmem>>, vector<16xi32>,
      %gather3A_137 = tpu.vector_load_idx %arg6[%get3A_132] : memref<10000xf32, #tpu.memory_space<vmem>>[vector<16xi32>], vector<16xf32>,
      %gather3A_138 = tpu.vector_load_idx %arg6[%get3A_136] : memref<10000xf32, #tpu.memory_space<vmem>>[vector<16xi32>], vector<16xf32>,
      tpu.vector_store_idx %arg8[%get3A_132], %gather3A_138 {add = true} : memref<10240xf32, #tpu.memory_space<vmem>>[vector<16xi32>], vector<16xf32>,
      tpu.vector_store_idx %arg8[%get3A_136], %gather3A_137 {add = true} : memref<10240xf32, #tpu.memory_space<vmem>>[vector<16xi32>], vector<16xf32>,
      tpu.vector_store_idx %arg9[%get3A_132], %broadcast_in_dim3A_21 {add = true} : memref<10240xf32, #tpu.memory_space<vmem>>[vector<16xi32>], vector<16xf32>,
      tpu.vector_store_idx %arg9[%get3A_136], %broadcast_in_dim3A_21 {add = true} : memref<10240xf32, #tpu.memory_space<vmem>>[vector<16xi32>], vector<16xf32>,
      %mul3A_139 = arith.constant 128 : i32
      %mul3A_140 = arith.muli %while3A_42, %mul3A_139 : i32
      %add3A_141 = arith.constant 112 : i32
      %add3A_142 = arith.addi %mul3A_140, %add3A_141 : i32
      %get3A_143 = arith.constant 0 : i32
      %get3A_144 = arith.index_cast %get3A_143 : i32 to index
      %get3A_145 = arith.index_cast %add3A_142 : i32 to index
      %get3A_146 = tpu.vector_load %arg7[%get3A_144, %get3A_145] {strides = array<i32>} : memref<2x5120xi32, #tpu.memory_space<vmem>>, vector<16xi32>,
      %get3A_147 = arith.constant 1 : i32
      %get3A_148 = arith.index_cast %get3A_147 : i32 to index
      %get3A_149 = arith.index_cast %add3A_142 : i32 to index
      %get3A_150 = tpu.vector_load %arg7[%get3A_148, %get3A_149] {strides = array<i32>} : memref<2x5120xi32, #tpu.memory_space<vmem>>, vector<16xi32>,
      %gather3A_151 = tpu.vector_load_idx %arg6[%get3A_146] : memref<10000xf32, #tpu.memory_space<vmem>>[vector<16xi32>], vector<16xf32>,
      %gather3A_152 = tpu.vector_load_idx %arg6[%get3A_150] : memref<10000xf32, #tpu.memory_space<vmem>>[vector<16xi32>], vector<16xf32>,
      tpu.vector_store_idx %arg8[%get3A_146], %gather3A_152 {add = true} : memref<10240xf32, #tpu.memory_space<vmem>>[vector<16xi32>], vector<16xf32>,
      tpu.vector_store_idx %arg8[%get3A_150], %gather3A_151 {add = true} : memref<10240xf32, #tpu.memory_space<vmem>>[vector<16xi32>], vector<16xf32>,
      tpu.vector_store_idx %arg9[%get3A_146], %broadcast_in_dim3A_21 {add = true} : memref<10240xf32, #tpu.memory_space<vmem>>[vector<16xi32>], vector<16xf32>,
      tpu.vector_store_idx %arg9[%get3A_150], %broadcast_in_dim3A_21 {add = true} : memref<10240xf32, #tpu.memory_space<vmem>>[vector<16xi32>], vector<16xf32>,
    }
    %while3A_32 = arith.constant 1 : i32
    scf.for %while3A_42 = %while3A_30 to %while3A_26 step %while3A_32  : i32 {
      %mul3A_43 = arith.constant 128 : i32
      %mul3A_44 = arith.muli %while3A_42, %mul3A_43 : i32
      %add3A_45 = arith.constant 0 : i32
      %add3A_46 = arith.addi %mul3A_44, %add3A_45 : i32
      %get3A = arith.constant 0 : i32
      %get3A_47 = arith.index_cast %get3A : i32 to index
      %get3A_48 = arith.index_cast %add3A_46 : i32 to index
      %get3A_49 = tpu.vector_load %arg7[%get3A_47, %get3A_48] {strides = array<i32>} : memref<2x5120xi32, #tpu.memory_space<vmem>>, vector<16xi32>,
      %get3A_50 = arith.constant 1 : i32
      %get3A_51 = arith.index_cast %get3A_50 : i32 to index
      %get3A_52 = arith.index_cast %add3A_46 : i32 to index
      %get3A_53 = tpu.vector_load %arg7[%get3A_51, %get3A_52] {strides = array<i32>} : memref<2x5120xi32, #tpu.memory_space<vmem>>, vector<16xi32>,
      %gather3A = tpu.vector_load_idx %arg6[%get3A_49] : memref<10000xf32, #tpu.memory_space<vmem>>[vector<16xi32>], vector<16xf32>,
      %gather3A_54 = tpu.vector_load_idx %arg6[%get3A_53] : memref<10000xf32, #tpu.memory_space<vmem>>[vector<16xi32>], vector<16xf32>,
      tpu.vector_store_idx %arg8[%get3A_49], %gather3A_54 {add = true} : memref<10240xf32, #tpu.memory_space<vmem>>[vector<16xi32>], vector<16xf32>,
      tpu.vector_store_idx %arg8[%get3A_53], %gather3A {add = true} : memref<10240xf32, #tpu.memory_space<vmem>>[vector<16xi32>], vector<16xf32>,
      tpu.vector_store_idx %arg9[%get3A_49], %broadcast_in_dim3A_21 {add = true} : memref<10240xf32, #tpu.memory_space<vmem>>[vector<16xi32>], vector<16xf32>,
      tpu.vector_store_idx %arg9[%get3A_53], %broadcast_in_dim3A_21 {add = true} : memref<10240xf32, #tpu.memory_space<vmem>>[vector<16xi32>], vector<16xf32>,
      %mul3A_55 = arith.constant 128 : i32
      %mul3A_56 = arith.muli %while3A_42, %mul3A_55 : i32
      %add3A_57 = arith.constant 16 : i32
      %add3A_58 = arith.addi %mul3A_56, %add3A_57 : i32
      %get3A_59 = arith.constant 0 : i32
      %get3A_60 = arith.index_cast %get3A_59 : i32 to index
      %get3A_61 = arith.index_cast %add3A_58 : i32 to index
      %get3A_62 = tpu.vector_load %arg7[%get3A_60, %get3A_61] {strides = array<i32>} : memref<2x5120xi32, #tpu.memory_space<vmem>>, vector<16xi32>,
      %get3A_63 = arith.constant 1 : i32
      %get3A_64 = arith.index_cast %get3A_63 : i32 to index
      %get3A_65 = arith.index_cast %add3A_58 : i32 to index
      %get3A_66 = tpu.vector_load %arg7[%get3A_64, %get3A_65] {strides = array<i32>} : memref<2x5120xi32, #tpu.memory_space<vmem>>, vector<16xi32>,
      %gather3A_67 = tpu.vector_load_idx %arg6[%get3A_62] : memref<10000xf32, #tpu.memory_space<vmem>>[vector<16xi32>], vector<16xf32>,
      %gather3A_68 = tpu.vector_load_idx %arg6[%get3A_66] : memref<10000xf32, #tpu.memory_space<vmem>>[vector<16xi32>], vector<16xf32>,
      tpu.vector_store_idx %arg8[%get3A_62], %gather3A_68 {add = true} : memref<10240xf32, #tpu.memory_space<vmem>>[vector<16xi32>], vector<16xf32>,
      tpu.vector_store_idx %arg8[%get3A_66], %gather3A_67 {add = true} : memref<10240xf32, #tpu.memory_space<vmem>>[vector<16xi32>], vector<16xf32>,
      tpu.vector_store_idx %arg9[%get3A_62], %broadcast_in_dim3A_21 {add = true} : memref<10240xf32, #tpu.memory_space<vmem>>[vector<16xi32>], vector<16xf32>,
      tpu.vector_store_idx %arg9[%get3A_66], %broadcast_in_dim3A_21 {add = true} : memref<10240xf32, #tpu.memory_space<vmem>>[vector<16xi32>], vector<16xf32>,
      %mul3A_69 = arith.constant 128 : i32
      %mul3A_70 = arith.muli %while3A_42, %mul3A_69 : i32
      %add3A_71 = arith.constant 32 : i32
      %add3A_72 = arith.addi %mul3A_70, %add3A_71 : i32
      %get3A_73 = arith.constant 0 : i32
      %get3A_74 = arith.index_cast %get3A_73 : i32 to index
      %get3A_75 = arith.index_cast %add3A_72 : i32 to index
      %get3A_76 = tpu.vector_load %arg7[%get3A_74, %get3A_75] {strides = array<i32>} : memref<2x5120xi32, #tpu.memory_space<vmem>>, vector<16xi32>,
      %get3A_77 = arith.constant 1 : i32
      %get3A_78 = arith.index_cast %get3A_77 : i32 to index
      %get3A_79 = arith.index_cast %add3A_72 : i32 to index
      %get3A_80 = tpu.vector_load %arg7[%get3A_78, %get3A_79] {strides = array<i32>} : memref<2x5120xi32, #tpu.memory_space<vmem>>, vector<16xi32>,
      %gather3A_81 = tpu.vector_load_idx %arg6[%get3A_76] : memref<10000xf32, #tpu.memory_space<vmem>>[vector<16xi32>], vector<16xf32>,
      %gather3A_82 = tpu.vector_load_idx %arg6[%get3A_80] : memref<10000xf32, #tpu.memory_space<vmem>>[vector<16xi32>], vector<16xf32>,
      tpu.vector_store_idx %arg8[%get3A_76], %gather3A_82 {add = true} : memref<10240xf32, #tpu.memory_space<vmem>>[vector<16xi32>], vector<16xf32>,
      tpu.vector_store_idx %arg8[%get3A_80], %gather3A_81 {add = true} : memref<10240xf32, #tpu.memory_space<vmem>>[vector<16xi32>], vector<16xf32>,
      tpu.vector_store_idx %arg9[%get3A_76], %broadcast_in_dim3A_21 {add = true} : memref<10240xf32, #tpu.memory_space<vmem>>[vector<16xi32>], vector<16xf32>,
      tpu.vector_store_idx %arg9[%get3A_80], %broadcast_in_dim3A_21 {add = true} : memref<10240xf32, #tpu.memory_space<vmem>>[vector<16xi32>], vector<16xf32>,
      %mul3A_83 = arith.constant 128 : i32
      %mul3A_84 = arith.muli %while3A_42, %mul3A_83 : i32
      %add3A_85 = arith.constant 48 : i32
      %add3A_86 = arith.addi %mul3A_84, %add3A_85 : i32
      %get3A_87 = arith.constant 0 : i32
      %get3A_88 = arith.index_cast %get3A_87 : i32 to index
      %get3A_89 = arith.index_cast %add3A_86 : i32 to index
      %get3A_90 = tpu.vector_load %arg7[%get3A_88, %get3A_89] {strides = array<i32>} : memref<2x5120xi32, #tpu.memory_space<vmem>>, vector<16xi32>,
      %get3A_91 = arith.constant 1 : i32
      %get3A_92 = arith.index_cast %get3A_91 : i32 to index
      %get3A_93 = arith.index_cast %add3A_86 : i32 to index
      %get3A_94 = tpu.vector_load %arg7[%get3A_92, %get3A_93] {strides = array<i32>} : memref<2x5120xi32, #tpu.memory_space<vmem>>, vector<16xi32>,
      %gather3A_95 = tpu.vector_load_idx %arg6[%get3A_90] : memref<10000xf32, #tpu.memory_space<vmem>>[vector<16xi32>], vector<16xf32>,
      %gather3A_96 = tpu.vector_load_idx %arg6[%get3A_94] : memref<10000xf32, #tpu.memory_space<vmem>>[vector<16xi32>], vector<16xf32>,
      tpu.vector_store_idx %arg8[%get3A_90], %gather3A_96 {add = true} : memref<10240xf32, #tpu.memory_space<vmem>>[vector<16xi32>], vector<16xf32>,
      tpu.vector_store_idx %arg8[%get3A_94], %gather3A_95 {add = true} : memref<10240xf32, #tpu.memory_space<vmem>>[vector<16xi32>], vector<16xf32>,
      tpu.vector_store_idx %arg9[%get3A_90], %broadcast_in_dim3A_21 {add = true} : memref<10240xf32, #tpu.memory_space<vmem>>[vector<16xi32>], vector<16xf32>,
      tpu.vector_store_idx %arg9[%get3A_94], %broadcast_in_dim3A_21 {add = true} : memref<10240xf32, #tpu.memory_space<vmem>>[vector<16xi32>], vector<16xf32>,
      %mul3A_97 = arith.constant 128 : i32
      %mul3A_98 = arith.muli %while3A_42, %mul3A_97 : i32
      %add3A_99 = arith.constant 64 : i32
      %add3A_100 = arith.addi %mul3A_98, %add3A_99 : i32
      %get3A_101 = arith.constant 0 : i32
      %get3A_102 = arith.index_cast %get3A_101 : i32 to index
      %get3A_103 = arith.index_cast %add3A_100 : i32 to index
      %get3A_104 = tpu.vector_load %arg7[%get3A_102, %get3A_103] {strides = array<i32>} : memref<2x5120xi32, #tpu.memory_space<vmem>>, vector<16xi32>,
      %get3A_105 = arith.constant 1 : i32
      %get3A_106 = arith.index_cast %get3A_105 : i32 to index
      %get3A_107 = arith.index_cast %add3A_100 : i32 to index
      %get3A_108 = tpu.vector_load %arg7[%get3A_106, %get3A_107] {strides = array<i32>} : memref<2x5120xi32, #tpu.memory_space<vmem>>, vector<16xi32>,
      %gather3A_109 = tpu.vector_load_idx %arg6[%get3A_104] : memref<10000xf32, #tpu.memory_space<vmem>>[vector<16xi32>], vector<16xf32>,
      %gather3A_110 = tpu.vector_load_idx %arg6[%get3A_108] : memref<10000xf32, #tpu.memory_space<vmem>>[vector<16xi32>], vector<16xf32>,
      tpu.vector_store_idx %arg8[%get3A_104], %gather3A_110 {add = true} : memref<10240xf32, #tpu.memory_space<vmem>>[vector<16xi32>], vector<16xf32>,
      tpu.vector_store_idx %arg8[%get3A_108], %gather3A_109 {add = true} : memref<10240xf32, #tpu.memory_space<vmem>>[vector<16xi32>], vector<16xf32>,
      tpu.vector_store_idx %arg9[%get3A_104], %broadcast_in_dim3A_21 {add = true} : memref<10240xf32, #tpu.memory_space<vmem>>[vector<16xi32>], vector<16xf32>,
      tpu.vector_store_idx %arg9[%get3A_108], %broadcast_in_dim3A_21 {add = true} : memref<10240xf32, #tpu.memory_space<vmem>>[vector<16xi32>], vector<16xf32>,
      %mul3A_111 = arith.constant 128 : i32
      %mul3A_112 = arith.muli %while3A_42, %mul3A_111 : i32
      %add3A_113 = arith.constant 80 : i32
      %add3A_114 = arith.addi %mul3A_112, %add3A_113 : i32
      %get3A_115 = arith.constant 0 : i32
      %get3A_116 = arith.index_cast %get3A_115 : i32 to index
      %get3A_117 = arith.index_cast %add3A_114 : i32 to index
      %get3A_118 = tpu.vector_load %arg7[%get3A_116, %get3A_117] {strides = array<i32>} : memref<2x5120xi32, #tpu.memory_space<vmem>>, vector<16xi32>,
      %get3A_119 = arith.constant 1 : i32
      %get3A_120 = arith.index_cast %get3A_119 : i32 to index
      %get3A_121 = arith.index_cast %add3A_114 : i32 to index
      %get3A_122 = tpu.vector_load %arg7[%get3A_120, %get3A_121] {strides = array<i32>} : memref<2x5120xi32, #tpu.memory_space<vmem>>, vector<16xi32>,
      %gather3A_123 = tpu.vector_load_idx %arg6[%get3A_118] : memref<10000xf32, #tpu.memory_space<vmem>>[vector<16xi32>], vector<16xf32>,
      %gather3A_124 = tpu.vector_load_idx %arg6[%get3A_122] : memref<10000xf32, #tpu.memory_space<vmem>>[vector<16xi32>], vector<16xf32>,
      tpu.vector_store_idx %arg8[%get3A_118], %gather3A_124 {add = true} : memref<10240xf32, #tpu.memory_space<vmem>>[vector<16xi32>], vector<16xf32>,
      tpu.vector_store_idx %arg8[%get3A_122], %gather3A_123 {add = true} : memref<10240xf32, #tpu.memory_space<vmem>>[vector<16xi32>], vector<16xf32>,
      tpu.vector_store_idx %arg9[%get3A_118], %broadcast_in_dim3A_21 {add = true} : memref<10240xf32, #tpu.memory_space<vmem>>[vector<16xi32>], vector<16xf32>,
      tpu.vector_store_idx %arg9[%get3A_122], %broadcast_in_dim3A_21 {add = true} : memref<10240xf32, #tpu.memory_space<vmem>>[vector<16xi32>], vector<16xf32>,
      %mul3A_125 = arith.constant 128 : i32
      %mul3A_126 = arith.muli %while3A_42, %mul3A_125 : i32
      %add3A_127 = arith.constant 96 : i32
      %add3A_128 = arith.addi %mul3A_126, %add3A_127 : i32
      %get3A_129 = arith.constant 0 : i32
      %get3A_130 = arith.index_cast %get3A_129 : i32 to index
      %get3A_131 = arith.index_cast %add3A_128 : i32 to index
      %get3A_132 = tpu.vector_load %arg7[%get3A_130, %get3A_131] {strides = array<i32>} : memref<2x5120xi32, #tpu.memory_space<vmem>>, vector<16xi32>,
      %get3A_133 = arith.constant 1 : i32
      %get3A_134 = arith.index_cast %get3A_133 : i32 to index
      %get3A_135 = arith.index_cast %add3A_128 : i32 to index
      %get3A_136 = tpu.vector_load %arg7[%get3A_134, %get3A_135] {strides = array<i32>} : memref<2x5120xi32, #tpu.memory_space<vmem>>, vector<16xi32>,
      %gather3A_137 = tpu.vector_load_idx %arg6[%get3A_132] : memref<10000xf32, #tpu.memory_space<vmem>>[vector<16xi32>], vector<16xf32>,
      %gather3A_138 = tpu.vector_load_idx %arg6[%get3A_136] : memref<10000xf32, #tpu.memory_space<vmem>>[vector<16xi32>], vector<16xf32>,
      tpu.vector_store_idx %arg8[%get3A_132], %gather3A_138 {add = true} : memref<10240xf32, #tpu.memory_space<vmem>>[vector<16xi32>], vector<16xf32>,
      tpu.vector_store_idx %arg8[%get3A_136], %gather3A_137 {add = true} : memref<10240xf32, #tpu.memory_space<vmem>>[vector<16xi32>], vector<16xf32>,
      tpu.vector_store_idx %arg9[%get3A_132], %broadcast_in_dim3A_21 {add = true} : memref<10240xf32, #tpu.memory_space<vmem>>[vector<16xi32>], vector<16xf32>,
      tpu.vector_store_idx %arg9[%get3A_136], %broadcast_in_dim3A_21 {add = true} : memref<10240xf32, #tpu.memory_space<vmem>>[vector<16xi32>], vector<16xf32>,
      %mul3A_139 = arith.constant 128 : i32
      %mul3A_140 = arith.muli %while3A_42, %mul3A_139 : i32
      %add3A_141 = arith.constant 112 : i32
      %add3A_142 = arith.addi %mul3A_140, %add3A_141 : i32
      %get3A_143 = arith.constant 0 : i32
      %get3A_144 = arith.index_cast %get3A_143 : i32 to index
      %get3A_145 = arith.index_cast %add3A_142 : i32 to index
      %get3A_146 = tpu.vector_load %arg7[%get3A_144, %get3A_145] {strides = array<i32>} : memref<2x5120xi32, #tpu.memory_space<vmem>>, vector<16xi32>,
      %get3A_147 = arith.constant 1 : i32
      %get3A_148 = arith.index_cast %get3A_147 : i32 to index
      %get3A_149 = arith.index_cast %add3A_142 : i32 to index
      %get3A_150 = tpu.vector_load %arg7[%get3A_148, %get3A_149] {strides = array<i32>} : memref<2x5120xi32, #tpu.memory_space<vmem>>, vector<16xi32>,
      %gather3A_151 = tpu.vector_load_idx %arg6[%get3A_146] : memref<10000xf32, #tpu.memory_space<vmem>>[vector<16xi32>], vector<16xf32>,
      %gather3A_152 = tpu.vector_load_idx %arg6[%get3A_150] : memref<10000xf32, #tpu.memory_space<vmem>>[vector<16xi32>], vector<16xf32>,
      tpu.vector_store_idx %arg8[%get3A_146], %gather3A_152 {add = true} : memref<10240xf32, #tpu.memory_space<vmem>>[vector<16xi32>], vector<16xf32>,
      tpu.vector_store_idx %arg8[%get3A_150], %gather3A_151 {add = true} : memref<10240xf32, #tpu.memory_space<vmem>>[vector<16xi32>], vector<16xf32>,
      tpu.vector_store_idx %arg9[%get3A_146], %broadcast_in_dim3A_21 {add = true} : memref<10240xf32, #tpu.memory_space<vmem>>[vector<16xi32>], vector<16xf32>,
      tpu.vector_store_idx %arg9[%get3A_150], %broadcast_in_dim3A_21 {add = true} : memref<10240xf32, #tpu.memory_space<vmem>>[vector<16xi32>], vector<16xf32>,
    }
    %mul3A_33 = arith.constant 10240 : i32
    %mul3A_34 = arith.muli %add3A, %mul3A_33 : i32
    %multiple_of3A_35 = tpu.assume_multiple %mul3A_34, 128 : i32
    %dma_start3A = tpu.memref_slice %arg4[%multiple_of3A_35] : memref<327680xf32, #tpu.memory_space<hbm>> -> memref<10240xf32, #tpu.memory_space<hbm>>
    %dma_start3A_36 = tpu.memref_slice %arg4[%multiple_of3A_35] : memref<327680xf32, #tpu.memory_space<hbm>> -> memref<10240xf32, #tpu.memory_space<hbm>>
    tpu.enqueue_dma source(%arg8 : memref<10240xf32, #tpu.memory_space<vmem>>) target(%dma_start3A_36 : memref<10240xf32, #tpu.memory_space<hbm>>) target_semaphore(%arg10 : memref<!tpu.dma_semaphore, #tpu.memory_space<semaphore_mem>>)
    %dma_start3A_37 = tpu.memref_slice %arg5[%multiple_of3A_35] : memref<327680xf32, #tpu.memory_space<hbm>> -> memref<10240xf32, #tpu.memory_space<hbm>>
    %dma_start3A_38 = tpu.memref_slice %arg5[%multiple_of3A_35] : memref<327680xf32, #tpu.memory_space<hbm>> -> memref<10240xf32, #tpu.memory_space<hbm>>
    tpu.enqueue_dma source(%arg9 : memref<10240xf32, #tpu.memory_space<vmem>>) target(%dma_start3A_38 : memref<10240xf32, #tpu.memory_space<hbm>>) target_semaphore(%arg11 : memref<!tpu.dma_semaphore, #tpu.memory_space<semaphore_mem>>)
    %dma_wait3A = tpu.memref_slice %arg4[%multiple_of3A_35] : memref<327680xf32, #tpu.memory_space<hbm>> -> memref<10240xf32, #tpu.memory_space<hbm>>
    %dma_wait3A_39 = tpu.memref_slice %arg4[%multiple_of3A_35] : memref<327680xf32, #tpu.memory_space<hbm>> -> memref<10240xf32, #tpu.memory_space<hbm>>
    tpu.wait_dma2 semaphore(%arg10 : memref<!tpu.dma_semaphore, #tpu.memory_space<semaphore_mem>>) src(%arg8 : memref<10240xf32, #tpu.memory_space<vmem>>) dst(%dma_wait3A_39 : memref<10240xf32, #tpu.memory_space<hbm>>)
    %dma_wait3A_40 = tpu.memref_slice %arg5[%multiple_of3A_35] : memref<327680xf32, #tpu.memory_space<hbm>> -> memref<10240xf32, #tpu.memory_space<hbm>>
    %dma_wait3A_41 = tpu.memref_slice %arg5[%multiple_of3A_35] : memref<327680xf32, #tpu.memory_space<hbm>> -> memref<10240xf32, #tpu.memory_space<hbm>>
    tpu.wait_dma2 semaphore(%arg11 : memref<!tpu.dma_semaphore, #tpu.memory_space<semaphore_mem>>) src(%arg9 : memref<10240xf32, #tpu.memory_space<vmem>>) dst(%dma_wait3A_41 : memref<10240xf32, #tpu.memory_space<hbm>>)
    return
  }
}

module attributes {stable_mosaic.version = 14 : i64} {
  func.func @_tc_body(%arg0: i32, %arg1: memref<1x2048xf32, #tpu.memory_space<vmem>>, %arg2: memref<2048xf32, #tpu.memory_space<vmem>>, %arg3: memref<2048xf32, #tpu.memory_space<vmem>>, %arg4: memref<2048xf32, #tpu.memory_space<vmem>>, %arg5: memref<2048xf32, #tpu.memory_space<vmem>>, %arg6: memref<2048xf32, #tpu.memory_space<vmem>>, %arg7: memref<2048xf32, #tpu.memory_space<vmem>>, %arg8: memref<2048xf32, #tpu.memory_space<vmem>>, %arg9: memref<2048xf32, #tpu.memory_space<vmem>>, %arg10: memref<2048xf32, #tpu.memory_space<vmem>>, %arg11: memref<2048xf32, #tpu.memory_space<vmem>>, %arg12: memref<2048xf32, #tpu.memory_space<vmem>>, %arg13: memref<2048xf32, #tpu.memory_space<vmem>>, %arg14: memref<2048xf32, #tpu.memory_space<vmem>>, %arg15: memref<2048xf32, #tpu.memory_space<vmem>>, %arg16: memref<2048xf32, #tpu.memory_space<vmem>>, %arg17: memref<2048xf32, #tpu.memory_space<vmem>>, %arg18: memref<2048xf32, #tpu.memory_space<vmem>>, %arg19: memref<2048xf32, #tpu.memory_space<vmem>>, %arg20: memref<2048xf32, #tpu.memory_space<vmem>>, %arg21: memref<2048xf32, #tpu.memory_space<vmem>>, %arg22: memref<2048xf32, #tpu.memory_space<vmem>>, %arg23: memref<2048xf32, #tpu.memory_space<vmem>>, %arg24: memref<2048xf32, #tpu.memory_space<vmem>>, %arg25: memref<2048xf32, #tpu.memory_space<vmem>>, %arg26: memref<2048xf32, #tpu.memory_space<vmem>>, %arg27: memref<2048xf32, #tpu.memory_space<vmem>>, %arg28: memref<2048xf32, #tpu.memory_space<vmem>>, %arg29: memref<2048xf32, #tpu.memory_space<vmem>>, %arg30: memref<2048xf32, #tpu.memory_space<vmem>>, %arg31: memref<2048xf32, #tpu.memory_space<vmem>>, %arg32: memref<2048xf32, #tpu.memory_space<vmem>>, %arg33: memref<2048xf32, #tpu.memory_space<vmem>>, %arg34: memref<2048xf32, #tpu.memory_space<vmem>>, %arg35: memref<2048xf32, #tpu.memory_space<vmem>>, %arg36: memref<2048xf32, #tpu.memory_space<vmem>>, %arg37: memref<2048xf32, #tpu.memory_space<vmem>>, %arg38: memref<2048xf32, #tpu.memory_space<vmem>>, %arg39: memref<2048xf32, #tpu.memory_space<vmem>>, %arg40: memref<2048xf32, #tpu.memory_space<vmem>>, %arg41: memref<2048xf32, #tpu.memory_space<vmem>>, %arg42: memref<2048xf32, #tpu.memory_space<vmem>>, %arg43: memref<2048xf32, #tpu.memory_space<vmem>>, %arg44: memref<2048xf32, #tpu.memory_space<vmem>>, %arg45: memref<2048xf32, #tpu.memory_space<vmem>>, %arg46: memref<2048xf32, #tpu.memory_space<vmem>>, %arg47: memref<2048xf32, #tpu.memory_space<vmem>>, %arg48: memref<2048xf32, #tpu.memory_space<vmem>>, %arg49: memref<2048xf32, #tpu.memory_space<vmem>>, %arg50: memref<2048xf32, #tpu.memory_space<vmem>>, %arg51: memref<2048xf32, #tpu.memory_space<vmem>>, %arg52: memref<2048xf32, #tpu.memory_space<vmem>>, %arg53: memref<2048xf32, #tpu.memory_space<vmem>>, %arg54: memref<2048xf32, #tpu.memory_space<vmem>>, %arg55: memref<2048xf32, #tpu.memory_space<vmem>>, %arg56: memref<2048xf32, #tpu.memory_space<vmem>>, %arg57: memref<2048xf32, #tpu.memory_space<vmem>>, %arg58: memref<2048xf32, #tpu.memory_space<vmem>>, %arg59: memref<2048xf32, #tpu.memory_space<vmem>>, %arg60: memref<2048xf32, #tpu.memory_space<vmem>>, %arg61: memref<2048xf32, #tpu.memory_space<vmem>>, %arg62: memref<2048xf32, #tpu.memory_space<vmem>>, %arg63: memref<2048xf32, #tpu.memory_space<vmem>>, %arg64: memref<2048xf32, #tpu.memory_space<vmem>>, %arg65: memref<2048xf32, #tpu.memory_space<vmem>>, %arg66: memref<32x16xf32, #tpu.memory_space<vmem>>, %arg67: memref<32x1xf32, #tpu.memory_space<vmem>>, %arg68: memref<16x32xf32, #tpu.memory_space<vmem>>, %arg69: memref<16x1xf32, #tpu.memory_space<vmem>>, %arg70: memref<16x1xf32, #tpu.memory_space<vmem>>, %arg71: memref<16x1xf32, #tpu.memory_space<vmem>>, %arg72: memref<2048x16xf32, #tpu.memory_space<vmem>>) attributes {dimension_semantics = [#tpu.dimension_semantics<arbitrary>], iteration_bounds = array<i64: 5>, scalar_prefetch = 0 : i64, scratch_operands = 0 : i64, tpu.core_type = #tpu.core_type<tc>, window_params = [{transform_indices = @transform_0, window_bounds = array<i64: 1, 2048>}, {transform_indices = @transform_1, window_bounds = array<i64: 2048>}, {transform_indices = @transform_2, window_bounds = array<i64: 2048>}, {transform_indices = @transform_3, window_bounds = array<i64: 2048>}, {transform_indices = @transform_4, window_bounds = array<i64: 2048>}, {transform_indices = @transform_5, window_bounds = array<i64: 2048>}, {transform_indices = @transform_6, window_bounds = array<i64: 2048>}, {transform_indices = @transform_7, window_bounds = array<i64: 2048>}, {transform_indices = @transform_8, window_bounds = array<i64: 2048>}, {transform_indices = @transform_9, window_bounds = array<i64: 2048>}, {transform_indices = @transform_10, window_bounds = array<i64: 2048>}, {transform_indices = @transform_11, window_bounds = array<i64: 2048>}, {transform_indices = @transform_12, window_bounds = array<i64: 2048>}, {transform_indices = @transform_13, window_bounds = array<i64: 2048>}, {transform_indices = @transform_14, window_bounds = array<i64: 2048>}, {transform_indices = @transform_15, window_bounds = array<i64: 2048>}, {transform_indices = @transform_16, window_bounds = array<i64: 2048>}, {transform_indices = @transform_17, window_bounds = array<i64: 2048>}, {transform_indices = @transform_18, window_bounds = array<i64: 2048>}, {transform_indices = @transform_19, window_bounds = array<i64: 2048>}, {transform_indices = @transform_20, window_bounds = array<i64: 2048>}, {transform_indices = @transform_21, window_bounds = array<i64: 2048>}, {transform_indices = @transform_22, window_bounds = array<i64: 2048>}, {transform_indices = @transform_23, window_bounds = array<i64: 2048>}, {transform_indices = @transform_24, window_bounds = array<i64: 2048>}, {transform_indices = @transform_25, window_bounds = array<i64: 2048>}, {transform_indices = @transform_26, window_bounds = array<i64: 2048>}, {transform_indices = @transform_27, window_bounds = array<i64: 2048>}, {transform_indices = @transform_28, window_bounds = array<i64: 2048>}, {transform_indices = @transform_29, window_bounds = array<i64: 2048>}, {transform_indices = @transform_30, window_bounds = array<i64: 2048>}, {transform_indices = @transform_31, window_bounds = array<i64: 2048>}, {transform_indices = @transform_32, window_bounds = array<i64: 2048>}, {transform_indices = @transform_33, window_bounds = array<i64: 2048>}, {transform_indices = @transform_34, window_bounds = array<i64: 2048>}, {transform_indices = @transform_35, window_bounds = array<i64: 2048>}, {transform_indices = @transform_36, window_bounds = array<i64: 2048>}, {transform_indices = @transform_37, window_bounds = array<i64: 2048>}, {transform_indices = @transform_38, window_bounds = array<i64: 2048>}, {transform_indices = @transform_39, window_bounds = array<i64: 2048>}, {transform_indices = @transform_40, window_bounds = array<i64: 2048>}, {transform_indices = @transform_41, window_bounds = array<i64: 2048>}, {transform_indices = @transform_42, window_bounds = array<i64: 2048>}, {transform_indices = @transform_43, window_bounds = array<i64: 2048>}, {transform_indices = @transform_44, window_bounds = array<i64: 2048>}, {transform_indices = @transform_45, window_bounds = array<i64: 2048>}, {transform_indices = @transform_46, window_bounds = array<i64: 2048>}, {transform_indices = @transform_47, window_bounds = array<i64: 2048>}, {transform_indices = @transform_48, window_bounds = array<i64: 2048>}, {transform_indices = @transform_49, window_bounds = array<i64: 2048>}, {transform_indices = @transform_50, window_bounds = array<i64: 2048>}, {transform_indices = @transform_51, window_bounds = array<i64: 2048>}, {transform_indices = @transform_52, window_bounds = array<i64: 2048>}, {transform_indices = @transform_53, window_bounds = array<i64: 2048>}, {transform_indices = @transform_54, window_bounds = array<i64: 2048>}, {transform_indices = @transform_55, window_bounds = array<i64: 2048>}, {transform_indices = @transform_56, window_bounds = array<i64: 2048>}, {transform_indices = @transform_57, window_bounds = array<i64: 2048>}, {transform_indices = @transform_58, window_bounds = array<i64: 2048>}, {transform_indices = @transform_59, window_bounds = array<i64: 2048>}, {transform_indices = @transform_60, window_bounds = array<i64: 2048>}, {transform_indices = @transform_61, window_bounds = array<i64: 2048>}, {transform_indices = @transform_62, window_bounds = array<i64: 2048>}, {transform_indices = @transform_63, window_bounds = array<i64: 2048>}, {transform_indices = @transform_64, window_bounds = array<i64: 2048>}, {pipeline_mode = #tpu.pipeline_mode<synchronous>, transform_indices = @transform_65, window_bounds = array<i64: 32, 16>}, {pipeline_mode = #tpu.pipeline_mode<synchronous>, transform_indices = @transform_66, window_bounds = array<i64: 32, 1>}, {pipeline_mode = #tpu.pipeline_mode<synchronous>, transform_indices = @transform_67, window_bounds = array<i64: 16, 32>}, {pipeline_mode = #tpu.pipeline_mode<synchronous>, transform_indices = @transform_68, window_bounds = array<i64: 16, 1>}, {pipeline_mode = #tpu.pipeline_mode<synchronous>, transform_indices = @transform_69, window_bounds = array<i64: 16, 1>}, {pipeline_mode = #tpu.pipeline_mode<synchronous>, transform_indices = @transform_70, window_bounds = array<i64: 16, 1>}, {transform_indices = @transform_71, window_bounds = array<i64: 2048, 16>}]} {
    %get3A = arith.constant 0 : index
    %get3A_0 = vector.load %arg2[%get3A] : memref<2048xf32, #tpu.memory_space<vmem>>, vector<2048xf32>
    %get3A_1 = arith.constant 0 : index
    %get3A_2 = vector.load %arg3[%get3A_1] : memref<2048xf32, #tpu.memory_space<vmem>>, vector<2048xf32>
    %get3A_3 = arith.constant 0 : index
    %get3A_4 = vector.load %arg4[%get3A_3] : memref<2048xf32, #tpu.memory_space<vmem>>, vector<2048xf32>
    %get3A_5 = arith.constant 0 : index
    %get3A_6 = vector.load %arg5[%get3A_5] : memref<2048xf32, #tpu.memory_space<vmem>>, vector<2048xf32>
    %get3A_7 = arith.constant 0 : index
    %get3A_8 = vector.load %arg6[%get3A_7] : memref<2048xf32, #tpu.memory_space<vmem>>, vector<2048xf32>
    %get3A_9 = arith.constant 0 : index
    %get3A_10 = vector.load %arg7[%get3A_9] : memref<2048xf32, #tpu.memory_space<vmem>>, vector<2048xf32>
    %get3A_11 = arith.constant 0 : index
    %get3A_12 = vector.load %arg8[%get3A_11] : memref<2048xf32, #tpu.memory_space<vmem>>, vector<2048xf32>
    %get3A_13 = arith.constant 0 : index
    %get3A_14 = vector.load %arg9[%get3A_13] : memref<2048xf32, #tpu.memory_space<vmem>>, vector<2048xf32>
    %get3A_15 = arith.constant 0 : index
    %get3A_16 = vector.load %arg10[%get3A_15] : memref<2048xf32, #tpu.memory_space<vmem>>, vector<2048xf32>
    %get3A_17 = arith.constant 0 : index
    %get3A_18 = vector.load %arg11[%get3A_17] : memref<2048xf32, #tpu.memory_space<vmem>>, vector<2048xf32>
    %get3A_19 = arith.constant 0 : index
    %get3A_20 = vector.load %arg12[%get3A_19] : memref<2048xf32, #tpu.memory_space<vmem>>, vector<2048xf32>
    %get3A_21 = arith.constant 0 : index
    %get3A_22 = vector.load %arg13[%get3A_21] : memref<2048xf32, #tpu.memory_space<vmem>>, vector<2048xf32>
    %get3A_23 = arith.constant 0 : index
    %get3A_24 = vector.load %arg14[%get3A_23] : memref<2048xf32, #tpu.memory_space<vmem>>, vector<2048xf32>
    %get3A_25 = arith.constant 0 : index
    %get3A_26 = vector.load %arg15[%get3A_25] : memref<2048xf32, #tpu.memory_space<vmem>>, vector<2048xf32>
    %get3A_27 = arith.constant 0 : index
    %get3A_28 = vector.load %arg16[%get3A_27] : memref<2048xf32, #tpu.memory_space<vmem>>, vector<2048xf32>
    %get3A_29 = arith.constant 0 : index
    %get3A_30 = vector.load %arg17[%get3A_29] : memref<2048xf32, #tpu.memory_space<vmem>>, vector<2048xf32>
    %get3A_31 = arith.constant 0 : index
    %get3A_32 = vector.load %arg18[%get3A_31] : memref<2048xf32, #tpu.memory_space<vmem>>, vector<2048xf32>
    %get3A_33 = arith.constant 0 : index
    %get3A_34 = vector.load %arg19[%get3A_33] : memref<2048xf32, #tpu.memory_space<vmem>>, vector<2048xf32>
    %get3A_35 = arith.constant 0 : index
    %get3A_36 = vector.load %arg20[%get3A_35] : memref<2048xf32, #tpu.memory_space<vmem>>, vector<2048xf32>
    %get3A_37 = arith.constant 0 : index
    %get3A_38 = vector.load %arg21[%get3A_37] : memref<2048xf32, #tpu.memory_space<vmem>>, vector<2048xf32>
    %get3A_39 = arith.constant 0 : index
    %get3A_40 = vector.load %arg22[%get3A_39] : memref<2048xf32, #tpu.memory_space<vmem>>, vector<2048xf32>
    %get3A_41 = arith.constant 0 : index
    %get3A_42 = vector.load %arg23[%get3A_41] : memref<2048xf32, #tpu.memory_space<vmem>>, vector<2048xf32>
    %get3A_43 = arith.constant 0 : index
    %get3A_44 = vector.load %arg24[%get3A_43] : memref<2048xf32, #tpu.memory_space<vmem>>, vector<2048xf32>
    %get3A_45 = arith.constant 0 : index
    %get3A_46 = vector.load %arg25[%get3A_45] : memref<2048xf32, #tpu.memory_space<vmem>>, vector<2048xf32>
    %get3A_47 = arith.constant 0 : index
    %get3A_48 = vector.load %arg26[%get3A_47] : memref<2048xf32, #tpu.memory_space<vmem>>, vector<2048xf32>
    %get3A_49 = arith.constant 0 : index
    %get3A_50 = vector.load %arg27[%get3A_49] : memref<2048xf32, #tpu.memory_space<vmem>>, vector<2048xf32>
    %get3A_51 = arith.constant 0 : index
    %get3A_52 = vector.load %arg28[%get3A_51] : memref<2048xf32, #tpu.memory_space<vmem>>, vector<2048xf32>
    %get3A_53 = arith.constant 0 : index
    %get3A_54 = vector.load %arg29[%get3A_53] : memref<2048xf32, #tpu.memory_space<vmem>>, vector<2048xf32>
    %get3A_55 = arith.constant 0 : index
    %get3A_56 = vector.load %arg30[%get3A_55] : memref<2048xf32, #tpu.memory_space<vmem>>, vector<2048xf32>
    %get3A_57 = arith.constant 0 : index
    %get3A_58 = vector.load %arg31[%get3A_57] : memref<2048xf32, #tpu.memory_space<vmem>>, vector<2048xf32>
    %get3A_59 = arith.constant 0 : index
    %get3A_60 = vector.load %arg32[%get3A_59] : memref<2048xf32, #tpu.memory_space<vmem>>, vector<2048xf32>
    %get3A_61 = arith.constant 0 : index
    %get3A_62 = vector.load %arg33[%get3A_61] : memref<2048xf32, #tpu.memory_space<vmem>>, vector<2048xf32>
    %add3A = arith.addf %get3A_0, %get3A_2 : vector<2048xf32>
    %add3A_63 = arith.addf %get3A_4, %get3A_6 : vector<2048xf32>
    %add3A_64 = arith.addf %get3A_8, %get3A_10 : vector<2048xf32>
    %add3A_65 = arith.addf %get3A_12, %get3A_14 : vector<2048xf32>
    %add3A_66 = arith.addf %get3A_16, %get3A_18 : vector<2048xf32>
    %add3A_67 = arith.addf %get3A_20, %get3A_22 : vector<2048xf32>
    %add3A_68 = arith.addf %get3A_24, %get3A_26 : vector<2048xf32>
    %add3A_69 = arith.addf %get3A_28, %get3A_30 : vector<2048xf32>
    %add3A_70 = arith.addf %get3A_32, %get3A_34 : vector<2048xf32>
    %add3A_71 = arith.addf %get3A_36, %get3A_38 : vector<2048xf32>
    %add3A_72 = arith.addf %get3A_40, %get3A_42 : vector<2048xf32>
    %add3A_73 = arith.addf %get3A_44, %get3A_46 : vector<2048xf32>
    %add3A_74 = arith.addf %get3A_48, %get3A_50 : vector<2048xf32>
    %add3A_75 = arith.addf %get3A_52, %get3A_54 : vector<2048xf32>
    %add3A_76 = arith.addf %get3A_56, %get3A_58 : vector<2048xf32>
    %add3A_77 = arith.addf %get3A_60, %get3A_62 : vector<2048xf32>
    %add3A_78 = arith.addf %add3A, %add3A_63 : vector<2048xf32>
    %add3A_79 = arith.addf %add3A_64, %add3A_65 : vector<2048xf32>
    %add3A_80 = arith.addf %add3A_66, %add3A_67 : vector<2048xf32>
    %add3A_81 = arith.addf %add3A_68, %add3A_69 : vector<2048xf32>
    %add3A_82 = arith.addf %add3A_70, %add3A_71 : vector<2048xf32>
    %add3A_83 = arith.addf %add3A_72, %add3A_73 : vector<2048xf32>
    %add3A_84 = arith.addf %add3A_74, %add3A_75 : vector<2048xf32>
    %add3A_85 = arith.addf %add3A_76, %add3A_77 : vector<2048xf32>
    %add3A_86 = arith.addf %add3A_78, %add3A_79 : vector<2048xf32>
    %add3A_87 = arith.addf %add3A_80, %add3A_81 : vector<2048xf32>
    %add3A_88 = arith.addf %add3A_82, %add3A_83 : vector<2048xf32>
    %add3A_89 = arith.addf %add3A_84, %add3A_85 : vector<2048xf32>
    %add3A_90 = arith.addf %add3A_86, %add3A_87 : vector<2048xf32>
    %add3A_91 = arith.addf %add3A_88, %add3A_89 : vector<2048xf32>
    %add3A_92 = arith.addf %add3A_90, %add3A_91 : vector<2048xf32>
    %reshape3A = vector.shape_cast %add3A_92 : vector<2048xf32> to vector<1x2048xf32>
    %get3A_93 = arith.constant 0 : index
    %get3A_94 = vector.load %arg34[%get3A_93] : memref<2048xf32, #tpu.memory_space<vmem>>, vector<2048xf32>
    %get3A_95 = arith.constant 0 : index
    %get3A_96 = vector.load %arg35[%get3A_95] : memref<2048xf32, #tpu.memory_space<vmem>>, vector<2048xf32>
    %get3A_97 = arith.constant 0 : index
    %get3A_98 = vector.load %arg36[%get3A_97] : memref<2048xf32, #tpu.memory_space<vmem>>, vector<2048xf32>
    %get3A_99 = arith.constant 0 : index
    %get3A_100 = vector.load %arg37[%get3A_99] : memref<2048xf32, #tpu.memory_space<vmem>>, vector<2048xf32>
    %get3A_101 = arith.constant 0 : index
    %get3A_102 = vector.load %arg38[%get3A_101] : memref<2048xf32, #tpu.memory_space<vmem>>, vector<2048xf32>
    %get3A_103 = arith.constant 0 : index
    %get3A_104 = vector.load %arg39[%get3A_103] : memref<2048xf32, #tpu.memory_space<vmem>>, vector<2048xf32>
    %get3A_105 = arith.constant 0 : index
    %get3A_106 = vector.load %arg40[%get3A_105] : memref<2048xf32, #tpu.memory_space<vmem>>, vector<2048xf32>
    %get3A_107 = arith.constant 0 : index
    %get3A_108 = vector.load %arg41[%get3A_107] : memref<2048xf32, #tpu.memory_space<vmem>>, vector<2048xf32>
    %get3A_109 = arith.constant 0 : index
    %get3A_110 = vector.load %arg42[%get3A_109] : memref<2048xf32, #tpu.memory_space<vmem>>, vector<2048xf32>
    %get3A_111 = arith.constant 0 : index
    %get3A_112 = vector.load %arg43[%get3A_111] : memref<2048xf32, #tpu.memory_space<vmem>>, vector<2048xf32>
    %get3A_113 = arith.constant 0 : index
    %get3A_114 = vector.load %arg44[%get3A_113] : memref<2048xf32, #tpu.memory_space<vmem>>, vector<2048xf32>
    %get3A_115 = arith.constant 0 : index
    %get3A_116 = vector.load %arg45[%get3A_115] : memref<2048xf32, #tpu.memory_space<vmem>>, vector<2048xf32>
    %get3A_117 = arith.constant 0 : index
    %get3A_118 = vector.load %arg46[%get3A_117] : memref<2048xf32, #tpu.memory_space<vmem>>, vector<2048xf32>
    %get3A_119 = arith.constant 0 : index
    %get3A_120 = vector.load %arg47[%get3A_119] : memref<2048xf32, #tpu.memory_space<vmem>>, vector<2048xf32>
    %get3A_121 = arith.constant 0 : index
    %get3A_122 = vector.load %arg48[%get3A_121] : memref<2048xf32, #tpu.memory_space<vmem>>, vector<2048xf32>
    %get3A_123 = arith.constant 0 : index
    %get3A_124 = vector.load %arg49[%get3A_123] : memref<2048xf32, #tpu.memory_space<vmem>>, vector<2048xf32>
    %get3A_125 = arith.constant 0 : index
    %get3A_126 = vector.load %arg50[%get3A_125] : memref<2048xf32, #tpu.memory_space<vmem>>, vector<2048xf32>
    %get3A_127 = arith.constant 0 : index
    %get3A_128 = vector.load %arg51[%get3A_127] : memref<2048xf32, #tpu.memory_space<vmem>>, vector<2048xf32>
    %get3A_129 = arith.constant 0 : index
    %get3A_130 = vector.load %arg52[%get3A_129] : memref<2048xf32, #tpu.memory_space<vmem>>, vector<2048xf32>
    %get3A_131 = arith.constant 0 : index
    %get3A_132 = vector.load %arg53[%get3A_131] : memref<2048xf32, #tpu.memory_space<vmem>>, vector<2048xf32>
    %get3A_133 = arith.constant 0 : index
    %get3A_134 = vector.load %arg54[%get3A_133] : memref<2048xf32, #tpu.memory_space<vmem>>, vector<2048xf32>
    %get3A_135 = arith.constant 0 : index
    %get3A_136 = vector.load %arg55[%get3A_135] : memref<2048xf32, #tpu.memory_space<vmem>>, vector<2048xf32>
    %get3A_137 = arith.constant 0 : index
    %get3A_138 = vector.load %arg56[%get3A_137] : memref<2048xf32, #tpu.memory_space<vmem>>, vector<2048xf32>
    %get3A_139 = arith.constant 0 : index
    %get3A_140 = vector.load %arg57[%get3A_139] : memref<2048xf32, #tpu.memory_space<vmem>>, vector<2048xf32>
    %get3A_141 = arith.constant 0 : index
    %get3A_142 = vector.load %arg58[%get3A_141] : memref<2048xf32, #tpu.memory_space<vmem>>, vector<2048xf32>
    %get3A_143 = arith.constant 0 : index
    %get3A_144 = vector.load %arg59[%get3A_143] : memref<2048xf32, #tpu.memory_space<vmem>>, vector<2048xf32>
    %get3A_145 = arith.constant 0 : index
    %get3A_146 = vector.load %arg60[%get3A_145] : memref<2048xf32, #tpu.memory_space<vmem>>, vector<2048xf32>
    %get3A_147 = arith.constant 0 : index
    %get3A_148 = vector.load %arg61[%get3A_147] : memref<2048xf32, #tpu.memory_space<vmem>>, vector<2048xf32>
    %get3A_149 = arith.constant 0 : index
    %get3A_150 = vector.load %arg62[%get3A_149] : memref<2048xf32, #tpu.memory_space<vmem>>, vector<2048xf32>
    %get3A_151 = arith.constant 0 : index
    %get3A_152 = vector.load %arg63[%get3A_151] : memref<2048xf32, #tpu.memory_space<vmem>>, vector<2048xf32>
    %get3A_153 = arith.constant 0 : index
    %get3A_154 = vector.load %arg64[%get3A_153] : memref<2048xf32, #tpu.memory_space<vmem>>, vector<2048xf32>
    %get3A_155 = arith.constant 0 : index
    %get3A_156 = vector.load %arg65[%get3A_155] : memref<2048xf32, #tpu.memory_space<vmem>>, vector<2048xf32>
    %add3A_157 = arith.addf %get3A_94, %get3A_96 : vector<2048xf32>
    %add3A_158 = arith.addf %get3A_98, %get3A_100 : vector<2048xf32>
    %add3A_159 = arith.addf %get3A_102, %get3A_104 : vector<2048xf32>
    %add3A_160 = arith.addf %get3A_106, %get3A_108 : vector<2048xf32>
    %add3A_161 = arith.addf %get3A_110, %get3A_112 : vector<2048xf32>
    %add3A_162 = arith.addf %get3A_114, %get3A_116 : vector<2048xf32>
    %add3A_163 = arith.addf %get3A_118, %get3A_120 : vector<2048xf32>
    %add3A_164 = arith.addf %get3A_122, %get3A_124 : vector<2048xf32>
    %add3A_165 = arith.addf %get3A_126, %get3A_128 : vector<2048xf32>
    %add3A_166 = arith.addf %get3A_130, %get3A_132 : vector<2048xf32>
    %add3A_167 = arith.addf %get3A_134, %get3A_136 : vector<2048xf32>
    %add3A_168 = arith.addf %get3A_138, %get3A_140 : vector<2048xf32>
    %add3A_169 = arith.addf %get3A_142, %get3A_144 : vector<2048xf32>
    %add3A_170 = arith.addf %get3A_146, %get3A_148 : vector<2048xf32>
    %add3A_171 = arith.addf %get3A_150, %get3A_152 : vector<2048xf32>
    %add3A_172 = arith.addf %get3A_154, %get3A_156 : vector<2048xf32>
    %add3A_173 = arith.addf %add3A_157, %add3A_158 : vector<2048xf32>
    %add3A_174 = arith.addf %add3A_159, %add3A_160 : vector<2048xf32>
    %add3A_175 = arith.addf %add3A_161, %add3A_162 : vector<2048xf32>
    %add3A_176 = arith.addf %add3A_163, %add3A_164 : vector<2048xf32>
    %add3A_177 = arith.addf %add3A_165, %add3A_166 : vector<2048xf32>
    %add3A_178 = arith.addf %add3A_167, %add3A_168 : vector<2048xf32>
    %add3A_179 = arith.addf %add3A_169, %add3A_170 : vector<2048xf32>
    %add3A_180 = arith.addf %add3A_171, %add3A_172 : vector<2048xf32>
    %add3A_181 = arith.addf %add3A_173, %add3A_174 : vector<2048xf32>
    %add3A_182 = arith.addf %add3A_175, %add3A_176 : vector<2048xf32>
    %add3A_183 = arith.addf %add3A_177, %add3A_178 : vector<2048xf32>
    %add3A_184 = arith.addf %add3A_179, %add3A_180 : vector<2048xf32>
    %add3A_185 = arith.addf %add3A_181, %add3A_182 : vector<2048xf32>
    %add3A_186 = arith.addf %add3A_183, %add3A_184 : vector<2048xf32>
    %add3A_187 = arith.addf %add3A_185, %add3A_186 : vector<2048xf32>
    %reshape3A_188 = vector.shape_cast %add3A_187 : vector<2048xf32> to vector<1x2048xf32>
    %gt3A = arith.constant 0.000000e+00 : f32
    %gt3A_189 = vector.broadcast %gt3A : f32 to vector<1x2048xf32>
    %gt3A_190 = arith.cmpf ogt, %reshape3A_188, %gt3A_189 : vector<1x2048xf32>
    %gt3A_191 = arith.constant 0.000000e+00 : f32
    %gt3A_192 = vector.broadcast %gt3A_191 : f32 to vector<1x2048xf32>
    %gt3A_193 = arith.cmpf ogt, %reshape3A_188, %gt3A_192 : vector<1x2048xf32>
    %jit3A = arith.constant 1.000000e+00 : f32
    %broadcast_in_dim3A = vector.broadcast %jit3A : f32 to vector<1x2048xf32>
    %select_n3A = arith.select %gt3A_193, %reshape3A_188, %broadcast_in_dim3A : vector<1x2048xi1>, vector<1x2048xf32>
    %div3A = arith.divf %reshape3A, %select_n3A : vector<1x2048xf32>
    %jit3A_194 = arith.constant 0.000000e+00 : f32
    %broadcast_in_dim3A_195 = vector.broadcast %jit3A_194 : f32 to vector<1x2048xf32>
    %select_n3A_196 = arith.select %gt3A_190, %div3A, %broadcast_in_dim3A_195 : vector<1x2048xi1>, vector<1x2048xf32>
    %get3A_197 = arith.constant 0 : index
    %get3A_198 = arith.constant 0 : index
    %get3A_199 = vector.load %arg1[%get3A_197, %get3A_198] : memref<1x2048xf32, #tpu.memory_space<vmem>>, vector<1x2048xf32>
    %add3A_200 = arith.constant 1.000000e+00 : f32
    %add3A_201 = vector.broadcast %add3A_200 : f32 to vector<1x2048xf32>
    %add3A_202 = arith.addf %get3A_199, %add3A_201 : vector<1x2048xf32>
    %mul3A = arith.constant 5.000000e-01 : f32
    %mul3A_203 = vector.broadcast %mul3A : f32 to vector<1x2048xf32>
    %mul3A_204 = arith.mulf %add3A_202, %mul3A_203 : vector<1x2048xf32>
    %jit3A_205 = arith.constant 0.000000e+00 : f32
    %jit3A_206 = arith.constant 1.000000e+00 : f32
    %max3A = vector.broadcast %jit3A_205 : f32 to vector<1x2048xf32>
    %max3A_207 = arith.maximumf %max3A, %mul3A_204 : vector<1x2048xf32>
    %min3A = vector.broadcast %jit3A_206 : f32 to vector<1x2048xf32>
    %min3A_208 = arith.minimumf %min3A, %max3A_207 : vector<1x2048xf32>
    %add3A_209 = arith.constant 1.000000e+00 : f32
    %add3A_210 = vector.broadcast %add3A_209 : f32 to vector<1x2048xf32>
    %add3A_211 = arith.addf %select_n3A_196, %add3A_210 : vector<1x2048xf32>
    %mul3A_212 = arith.constant 5.000000e-01 : f32
    %mul3A_213 = vector.broadcast %mul3A_212 : f32 to vector<1x2048xf32>
    %mul3A_214 = arith.mulf %add3A_211, %mul3A_213 : vector<1x2048xf32>
    %jit3A_215 = arith.constant 0.000000e+00 : f32
    %jit3A_216 = arith.constant 1.000000e+00 : f32
    %max3A_217 = vector.broadcast %jit3A_215 : f32 to vector<1x2048xf32>
    %max3A_218 = arith.maximumf %max3A_217, %mul3A_214 : vector<1x2048xf32>
    %min3A_219 = vector.broadcast %jit3A_216 : f32 to vector<1x2048xf32>
    %min3A_220 = arith.minimumf %min3A_219, %max3A_218 : vector<1x2048xf32>
    %iota3A = tpu.iota {dimensions = array<i32: 0>} : vector<16x1xi32>
    %lt3A = arith.constant 8 : i32
    %lt3A_221 = vector.broadcast %lt3A : i32 to vector<16x1xi32>
    %lt3A_222 = arith.cmpi slt, %iota3A, %lt3A_221 : vector<16x1xi32>
    %broadcast_in_dim3A_223 = vector.shape_cast %lt3A_222 : vector<16x1xi1> to vector<16x1xi1>
    %broadcast_in_dim3A_224 = vector.broadcast %broadcast_in_dim3A_223 : vector<16x1xi1> to vector<16x2048xi1>
    %broadcast_in_dim3A_225 = vector.shape_cast %min3A_208 : vector<1x2048xf32> to vector<1x2048xf32>
    %broadcast_in_dim3A_226 = vector.broadcast %broadcast_in_dim3A_225 : vector<1x2048xf32> to vector<16x2048xf32>
    %broadcast_in_dim3A_227 = vector.shape_cast %min3A_220 : vector<1x2048xf32> to vector<1x2048xf32>
    %broadcast_in_dim3A_228 = vector.broadcast %broadcast_in_dim3A_227 : vector<1x2048xf32> to vector<16x2048xf32>
    %select_n3A_229 = arith.select %broadcast_in_dim3A_224, %broadcast_in_dim3A_226, %broadcast_in_dim3A_228 : vector<16x2048xi1>, vector<16x2048xf32>
    %jit3A_230 = arith.constant 8 : i32
    %eq3A = arith.constant 0 : i32
    %eq3A_231 = arith.cmpi eq, %jit3A_230, %eq3A : i32
    %jit3A_232 = arith.constant 1 : i32
    %select_n3A_233 = arith.select %eq3A_231, %jit3A_232, %jit3A_230 : i32
    %rem3A = vector.broadcast %select_n3A_233 : i32 to vector<16x1xi32>
    %rem3A_234 = arith.remsi %iota3A, %rem3A : vector<16x1xi32>
    %ne3A = arith.constant 0 : i32
    %ne3A_235 = vector.broadcast %ne3A : i32 to vector<16x1xi32>
    %ne3A_236 = arith.cmpi ne, %rem3A_234, %ne3A_235 : vector<16x1xi32>
    %lt3A_237 = arith.constant 0 : i32
    %lt3A_238 = vector.broadcast %lt3A_237 : i32 to vector<16x1xi32>
    %lt3A_239 = arith.cmpi slt, %rem3A_234, %lt3A_238 : vector<16x1xi32>
    %lt3A_240 = arith.constant 0 : i32
    %lt3A_241 = arith.cmpi slt, %select_n3A_233, %lt3A_240 : i32
    %ne3A_242 = vector.broadcast %lt3A_241 : i1 to vector<16x1xi1>
    %ne3A_243 = vector.broadcast %ne3A_242 : vector<16x1xi1> to vector<16x1xi1>
    %ne3A_244 = arith.xori %lt3A_239, %ne3A_243 : vector<16x1xi1>
    %and3A = arith.andi %ne3A_244, %ne3A_236 : vector<16x1xi1>
    %add3A_245 = vector.broadcast %select_n3A_233 : i32 to vector<16x1xi32>
    %add3A_246 = arith.addi %rem3A_234, %add3A_245 : vector<16x1xi32>
    %select_n3A_247 = arith.select %and3A, %add3A_246, %rem3A_234 : vector<16x1xi1>, vector<16x1xi32>
    %jit3A_248 = arith.constant 2 : i32
    %div3A_249 = vector.broadcast %jit3A_248 : i32 to vector<16x1xi32>
    %div3A_250 = arith.divsi %select_n3A_247, %div3A_249 : vector<16x1xi32>
    %sign3A = arith.constant 0 : i32
    %sign3A_251 = vector.broadcast %sign3A : i32 to vector<16x1xi32>
    %sign3A_252 = arith.cmpi sgt, %select_n3A_247, %sign3A_251 : vector<16x1xi32>
    %sign3A_253 = arith.extui %sign3A_252 : vector<16x1xi1> to vector<16x1xi32>
    %sign3A_254 = arith.constant 0 : i32
    %sign3A_255 = vector.broadcast %sign3A_254 : i32 to vector<16x1xi32>
    %sign3A_256 = arith.cmpi slt, %select_n3A_247, %sign3A_255 : vector<16x1xi32>
    %sign3A_257 = arith.extui %sign3A_256 : vector<16x1xi1> to vector<16x1xi32>
    %sign3A_258 = arith.subi %sign3A_253, %sign3A_257 : vector<16x1xi32>
    %sign3A_259 = arith.constant 0 : i32
    %sign3A_260 = arith.cmpi sgt, %jit3A_248, %sign3A_259 : i32
    %sign3A_261 = arith.extui %sign3A_260 : i1 to i32
    %sign3A_262 = arith.constant 0 : i32
    %sign3A_263 = arith.cmpi slt, %jit3A_248, %sign3A_262 : i32
    %sign3A_264 = arith.extui %sign3A_263 : i1 to i32
    %sign3A_265 = arith.subi %sign3A_261, %sign3A_264 : i32
    %ne3A_266 = vector.broadcast %sign3A_265 : i32 to vector<16x1xi32>
    %ne3A_267 = arith.cmpi ne, %sign3A_258, %ne3A_266 : vector<16x1xi32>
    %rem3A_268 = vector.broadcast %jit3A_248 : i32 to vector<16x1xi32>
    %rem3A_269 = arith.remsi %select_n3A_247, %rem3A_268 : vector<16x1xi32>
    %ne3A_270 = arith.constant 0 : i32
    %ne3A_271 = vector.broadcast %ne3A_270 : i32 to vector<16x1xi32>
    %ne3A_272 = arith.cmpi ne, %rem3A_269, %ne3A_271 : vector<16x1xi32>
    %and3A_273 = arith.andi %ne3A_267, %ne3A_272 : vector<16x1xi1>
    %sub3A = arith.constant 1 : i32
    %sub3A_274 = vector.broadcast %sub3A : i32 to vector<16x1xi32>
    %sub3A_275 = arith.subi %div3A_250, %sub3A_274 : vector<16x1xi32>
    %select_n3A_276 = arith.select %and3A_273, %sub3A_275, %div3A_250 : vector<16x1xi1>, vector<16x1xi32>
    %add3A_277 = arith.constant 1 : i32
    %add3A_278 = vector.broadcast %add3A_277 : i32 to vector<16x1xi32>
    %add3A_279 = arith.addi %select_n3A_276, %add3A_278 : vector<16x1xi32>
    %convert_element_type3A = arith.sitofp %add3A_279 : vector<16x1xi32> to vector<16x1xf32>
    %mul3A_280 = arith.constant 3.14159274 : f32
    %mul3A_281 = vector.broadcast %mul3A_280 : f32 to vector<16x1xf32>
    %mul3A_282 = arith.mulf %convert_element_type3A, %mul3A_281 : vector<16x1xf32>
    %mul3A_283 = vector.broadcast %mul3A_282 : vector<16x1xf32> to vector<16x2048xf32>
    %mul3A_284 = arith.mulf %select_n3A_229, %mul3A_283 : vector<16x2048xf32>
    %jit3A_285 = arith.constant 2 : i32
    %eq3A_286 = arith.constant 0 : i32
    %eq3A_287 = arith.cmpi eq, %jit3A_285, %eq3A_286 : i32
    %jit3A_288 = arith.constant 1 : i32
    %select_n3A_289 = arith.select %eq3A_287, %jit3A_288, %jit3A_285 : i32
    %rem3A_290 = vector.broadcast %select_n3A_289 : i32 to vector<16x1xi32>
    %rem3A_291 = arith.remsi %iota3A, %rem3A_290 : vector<16x1xi32>
    %ne3A_292 = arith.constant 0 : i32
    %ne3A_293 = vector.broadcast %ne3A_292 : i32 to vector<16x1xi32>
    %ne3A_294 = arith.cmpi ne, %rem3A_291, %ne3A_293 : vector<16x1xi32>
    %lt3A_295 = arith.constant 0 : i32
    %lt3A_296 = vector.broadcast %lt3A_295 : i32 to vector<16x1xi32>
    %lt3A_297 = arith.cmpi slt, %rem3A_291, %lt3A_296 : vector<16x1xi32>
    %lt3A_298 = arith.constant 0 : i32
    %lt3A_299 = arith.cmpi slt, %select_n3A_289, %lt3A_298 : i32
    %ne3A_300 = vector.broadcast %lt3A_299 : i1 to vector<16x1xi1>
    %ne3A_301 = vector.broadcast %ne3A_300 : vector<16x1xi1> to vector<16x1xi1>
    %ne3A_302 = arith.xori %lt3A_297, %ne3A_301 : vector<16x1xi1>
    %and3A_303 = arith.andi %ne3A_302, %ne3A_294 : vector<16x1xi1>
    %add3A_304 = vector.broadcast %select_n3A_289 : i32 to vector<16x1xi32>
    %add3A_305 = arith.addi %rem3A_291, %add3A_304 : vector<16x1xi32>
    %select_n3A_306 = arith.select %and3A_303, %add3A_305, %rem3A_291 : vector<16x1xi1>, vector<16x1xi32>
    %eq3A_307 = arith.constant 0 : i32
    %eq3A_308 = vector.broadcast %eq3A_307 : i32 to vector<16x1xi32>
    %eq3A_309 = arith.cmpi eq, %select_n3A_306, %eq3A_308 : vector<16x1xi32>
    %sin3A = math.sin %mul3A_284 : vector<16x2048xf32>
    %cos3A = math.cos %mul3A_284 : vector<16x2048xf32>
    %broadcast_in_dim3A_310 = vector.shape_cast %eq3A_309 : vector<16x1xi1> to vector<16x1xi1>
    %broadcast_in_dim3A_311 = vector.broadcast %broadcast_in_dim3A_310 : vector<16x1xi1> to vector<16x2048xi1>
    %select_n3A_312 = arith.select %broadcast_in_dim3A_311, %sin3A, %cos3A : vector<16x2048xi1>, vector<16x2048xf32>
    %get3A_313 = arith.constant 0 : index
    %get3A_314 = arith.constant 0 : index
    %get3A_315 = vector.load %arg66[%get3A_313, %get3A_314] : memref<32x16xf32, #tpu.memory_space<vmem>>, vector<32x16xf32>
    %dot_general3A = arith.constant dense<0.000000e+00> : vector<32x2048xf32>
    %dot_general3A_316 = tpu.matmul %get3A_315, %select_n3A_312, %dot_general3A {dimension_numbers = #tpu.dot_dimension_numbers<[1], [0], [0], [1], [0, 0, 1, 1], [], []>, transpose_lhs_hint = false} : vector<32x16xf32>, vector<16x2048xf32>, vector<32x2048xf32> -> vector<32x2048xf32>
    %get3A_317 = arith.constant 0 : index
    %get3A_318 = arith.constant 0 : index
    %get3A_319 = vector.load %arg67[%get3A_317, %get3A_318] : memref<32x1xf32, #tpu.memory_space<vmem>>, vector<32x1xf32>
    %add3A_320 = vector.broadcast %get3A_319 : vector<32x1xf32> to vector<32x2048xf32>
    %add3A_321 = arith.addf %dot_general3A_316, %add3A_320 : vector<32x2048xf32>
    %max3A_322 = arith.constant 0.000000e+00 : f32
    %max3A_323 = vector.broadcast %max3A_322 : f32 to vector<32x2048xf32>
    %max3A_324 = arith.maximumf %add3A_321, %max3A_323 : vector<32x2048xf32>
    %get3A_325 = arith.constant 0 : index
    %get3A_326 = arith.constant 0 : index
    %get3A_327 = vector.load %arg68[%get3A_325, %get3A_326] : memref<16x32xf32, #tpu.memory_space<vmem>>, vector<16x32xf32>
    %dot_general3A_328 = arith.constant dense<0.000000e+00> : vector<16x2048xf32>
    %dot_general3A_329 = tpu.matmul %get3A_327, %max3A_324, %dot_general3A_328 {dimension_numbers = #tpu.dot_dimension_numbers<[1], [0], [0], [1], [0, 0, 1, 1], [], []>, transpose_lhs_hint = false} : vector<16x32xf32>, vector<32x2048xf32>, vector<16x2048xf32> -> vector<16x2048xf32>
    %get3A_330 = arith.constant 0 : index
    %get3A_331 = arith.constant 0 : index
    %get3A_332 = vector.load %arg69[%get3A_330, %get3A_331] : memref<16x1xf32, #tpu.memory_space<vmem>>, vector<16x1xf32>
    %add3A_333 = vector.broadcast %get3A_332 : vector<16x1xf32> to vector<16x2048xf32>
    %add3A_334 = arith.addf %dot_general3A_329, %add3A_333 : vector<16x2048xf32>
    %reduce_sum3A = arith.constant dense<0.000000e+00> : vector<2048xf32>
    %reduce_sum3A_335 = vector.multi_reduction <add>, %add3A_334, %reduce_sum3A [0] : vector<16x2048xf32> to vector<2048xf32>
    %broadcast_in_dim3A_336 = vector.shape_cast %reduce_sum3A_335 : vector<2048xf32> to vector<1x2048xf32>
    %div3A_337 = arith.constant 1.600000e+01 : f32
    %div3A_338 = vector.broadcast %div3A_337 : f32 to vector<1x2048xf32>
    %div3A_339 = arith.divf %broadcast_in_dim3A_336, %div3A_338 : vector<1x2048xf32>
    %sub3A_340 = vector.broadcast %div3A_339 : vector<1x2048xf32> to vector<16x2048xf32>
    %sub3A_341 = arith.subf %add3A_334, %sub3A_340 : vector<16x2048xf32>
    %mul3A_342 = arith.mulf %sub3A_341, %sub3A_341 : vector<16x2048xf32>
    %reduce_sum3A_343 = arith.constant dense<0.000000e+00> : vector<2048xf32>
    %reduce_sum3A_344 = vector.multi_reduction <add>, %mul3A_342, %reduce_sum3A_343 [0] : vector<16x2048xf32> to vector<2048xf32>
    %broadcast_in_dim3A_345 = vector.shape_cast %reduce_sum3A_344 : vector<2048xf32> to vector<1x2048xf32>
    %div3A_346 = arith.constant 1.600000e+01 : f32
    %div3A_347 = vector.broadcast %div3A_346 : f32 to vector<1x2048xf32>
    %div3A_348 = arith.divf %broadcast_in_dim3A_345, %div3A_347 : vector<1x2048xf32>
    %add3A_349 = arith.constant 9.99999974E-6 : f32
    %add3A_350 = vector.broadcast %add3A_349 : f32 to vector<1x2048xf32>
    %add3A_351 = arith.addf %div3A_348, %add3A_350 : vector<1x2048xf32>
    %sqrt3A = math.sqrt %add3A_351 : vector<1x2048xf32>
    %div3A_352 = vector.broadcast %sqrt3A : vector<1x2048xf32> to vector<16x2048xf32>
    %div3A_353 = arith.divf %sub3A_341, %div3A_352 : vector<16x2048xf32>
    %get3A_354 = arith.constant 0 : index
    %get3A_355 = arith.constant 0 : index
    %get3A_356 = vector.load %arg70[%get3A_354, %get3A_355] : memref<16x1xf32, #tpu.memory_space<vmem>>, vector<16x1xf32>
    %mul3A_357 = vector.broadcast %get3A_356 : vector<16x1xf32> to vector<16x2048xf32>
    %mul3A_358 = arith.mulf %div3A_353, %mul3A_357 : vector<16x2048xf32>
    %get3A_359 = arith.constant 0 : index
    %get3A_360 = arith.constant 0 : index
    %get3A_361 = vector.load %arg71[%get3A_359, %get3A_360] : memref<16x1xf32, #tpu.memory_space<vmem>>, vector<16x1xf32>
    %add3A_362 = vector.broadcast %get3A_361 : vector<16x1xf32> to vector<16x2048xf32>
    %add3A_363 = arith.addf %mul3A_358, %add3A_362 : vector<16x2048xf32>
    %add3A_364 = arith.addf %add3A_363, %select_n3A_312 : vector<16x2048xf32>
    %iota3A_365 = tpu.iota {dimensions = array<i32: 0>} : vector<16x16xi32>
    %iota3A_366 = tpu.iota {dimensions = array<i32: 1>} : vector<16x16xi32>
    %eq3A_367 = arith.cmpi eq, %iota3A_365, %iota3A_366 : vector<16x16xi32>
    %convert_element_type3A_368 = arith.extui %eq3A_367 : vector<16x16xi1> to vector<16x16xi32>
    %convert_element_type3A_369 = arith.sitofp %convert_element_type3A_368 : vector<16x16xi32> to vector<16x16xf32>
    %dot_general3A_370 = arith.constant dense<0.000000e+00> : vector<2048x16xf32>
    %dot_general3A_371 = tpu.matmul %add3A_364, %convert_element_type3A_369, %dot_general3A_370 {dimension_numbers = #tpu.dot_dimension_numbers<[0], [0], [1], [1], [0, 1, 1, 1], [], []>, transpose_lhs_hint = false} : vector<16x2048xf32>, vector<16x16xf32>, vector<2048x16xf32> -> vector<2048x16xf32>
    %swap3A = arith.constant 0 : index
    %swap3A_372 = arith.constant 0 : index
    %swap3A_373 = vector.load %arg72[%swap3A, %swap3A_372] : memref<2048x16xf32, #tpu.memory_space<vmem>>, vector<2048x16xf32>
    tpu.vector_store %arg72[%swap3A, %swap3A_372], %dot_general3A_371 {strides = array<i32>} : memref<2048x16xf32, #tpu.memory_space<vmem>>, vector<2048x16xf32>,
    return
  }
  func.func @transform_0(%arg0: i32) -> (i32, i32) {
    %c0_i32 = arith.constant 0 : i32
    %c0_i32_0 = arith.constant 0 : i32
    return %c0_i32, %arg0 : i32, i32
  }
  func.func @transform_1(%arg0: i32) -> i32 {
    %add3A = arith.constant 0 : i32
    %add3A_0 = arith.addi %add3A, %arg0 : i32
    %c0_i32 = arith.constant 0 : i32
    return %add3A_0 : i32
  }
  func.func @transform_2(%arg0: i32) -> i32 {
    %add3A = arith.constant 5 : i32
    %add3A_0 = arith.addi %add3A, %arg0 : i32
    %c0_i32 = arith.constant 0 : i32
    return %add3A_0 : i32
  }
  func.func @transform_3(%arg0: i32) -> i32 {
    %add3A = arith.constant 10 : i32
    %add3A_0 = arith.addi %add3A, %arg0 : i32
    %c0_i32 = arith.constant 0 : i32
    return %add3A_0 : i32
  }
  func.func @transform_4(%arg0: i32) -> i32 {
    %add3A = arith.constant 15 : i32
    %add3A_0 = arith.addi %add3A, %arg0 : i32
    %c0_i32 = arith.constant 0 : i32
    return %add3A_0 : i32
  }
  func.func @transform_5(%arg0: i32) -> i32 {
    %add3A = arith.constant 20 : i32
    %add3A_0 = arith.addi %add3A, %arg0 : i32
    %c0_i32 = arith.constant 0 : i32
    return %add3A_0 : i32
  }
  func.func @transform_6(%arg0: i32) -> i32 {
    %add3A = arith.constant 25 : i32
    %add3A_0 = arith.addi %add3A, %arg0 : i32
    %c0_i32 = arith.constant 0 : i32
    return %add3A_0 : i32
  }
  func.func @transform_7(%arg0: i32) -> i32 {
    %add3A = arith.constant 30 : i32
    %add3A_0 = arith.addi %add3A, %arg0 : i32
    %c0_i32 = arith.constant 0 : i32
    return %add3A_0 : i32
  }
  func.func @transform_8(%arg0: i32) -> i32 {
    %add3A = arith.constant 35 : i32
    %add3A_0 = arith.addi %add3A, %arg0 : i32
    %c0_i32 = arith.constant 0 : i32
    return %add3A_0 : i32
  }
  func.func @transform_9(%arg0: i32) -> i32 {
    %add3A = arith.constant 40 : i32
    %add3A_0 = arith.addi %add3A, %arg0 : i32
    %c0_i32 = arith.constant 0 : i32
    return %add3A_0 : i32
  }
  func.func @transform_10(%arg0: i32) -> i32 {
    %add3A = arith.constant 45 : i32
    %add3A_0 = arith.addi %add3A, %arg0 : i32
    %c0_i32 = arith.constant 0 : i32
    return %add3A_0 : i32
  }
  func.func @transform_11(%arg0: i32) -> i32 {
    %add3A = arith.constant 50 : i32
    %add3A_0 = arith.addi %add3A, %arg0 : i32
    %c0_i32 = arith.constant 0 : i32
    return %add3A_0 : i32
  }
  func.func @transform_12(%arg0: i32) -> i32 {
    %add3A = arith.constant 55 : i32
    %add3A_0 = arith.addi %add3A, %arg0 : i32
    %c0_i32 = arith.constant 0 : i32
    return %add3A_0 : i32
  }
  func.func @transform_13(%arg0: i32) -> i32 {
    %add3A = arith.constant 60 : i32
    %add3A_0 = arith.addi %add3A, %arg0 : i32
    %c0_i32 = arith.constant 0 : i32
    return %add3A_0 : i32
  }
  func.func @transform_14(%arg0: i32) -> i32 {
    %add3A = arith.constant 65 : i32
    %add3A_0 = arith.addi %add3A, %arg0 : i32
    %c0_i32 = arith.constant 0 : i32
    return %add3A_0 : i32
  }
  func.func @transform_15(%arg0: i32) -> i32 {
    %add3A = arith.constant 70 : i32
    %add3A_0 = arith.addi %add3A, %arg0 : i32
    %c0_i32 = arith.constant 0 : i32
    return %add3A_0 : i32
  }
  func.func @transform_16(%arg0: i32) -> i32 {
    %add3A = arith.constant 75 : i32
    %add3A_0 = arith.addi %add3A, %arg0 : i32
    %c0_i32 = arith.constant 0 : i32
    return %add3A_0 : i32
  }
  func.func @transform_17(%arg0: i32) -> i32 {
    %add3A = arith.constant 80 : i32
    %add3A_0 = arith.addi %add3A, %arg0 : i32
    %c0_i32 = arith.constant 0 : i32
    return %add3A_0 : i32
  }
  func.func @transform_18(%arg0: i32) -> i32 {
    %add3A = arith.constant 85 : i32
    %add3A_0 = arith.addi %add3A, %arg0 : i32
    %c0_i32 = arith.constant 0 : i32
    return %add3A_0 : i32
  }
  func.func @transform_19(%arg0: i32) -> i32 {
    %add3A = arith.constant 90 : i32
    %add3A_0 = arith.addi %add3A, %arg0 : i32
    %c0_i32 = arith.constant 0 : i32
    return %add3A_0 : i32
  }
  func.func @transform_20(%arg0: i32) -> i32 {
    %add3A = arith.constant 95 : i32
    %add3A_0 = arith.addi %add3A, %arg0 : i32
    %c0_i32 = arith.constant 0 : i32
    return %add3A_0 : i32
  }
  func.func @transform_21(%arg0: i32) -> i32 {
    %add3A = arith.constant 100 : i32
    %add3A_0 = arith.addi %add3A, %arg0 : i32
    %c0_i32 = arith.constant 0 : i32
    return %add3A_0 : i32
  }
  func.func @transform_22(%arg0: i32) -> i32 {
    %add3A = arith.constant 105 : i32
    %add3A_0 = arith.addi %add3A, %arg0 : i32
    %c0_i32 = arith.constant 0 : i32
    return %add3A_0 : i32
  }
  func.func @transform_23(%arg0: i32) -> i32 {
    %add3A = arith.constant 110 : i32
    %add3A_0 = arith.addi %add3A, %arg0 : i32
    %c0_i32 = arith.constant 0 : i32
    return %add3A_0 : i32
  }
  func.func @transform_24(%arg0: i32) -> i32 {
    %add3A = arith.constant 115 : i32
    %add3A_0 = arith.addi %add3A, %arg0 : i32
    %c0_i32 = arith.constant 0 : i32
    return %add3A_0 : i32
  }
  func.func @transform_25(%arg0: i32) -> i32 {
    %add3A = arith.constant 120 : i32
    %add3A_0 = arith.addi %add3A, %arg0 : i32
    %c0_i32 = arith.constant 0 : i32
    return %add3A_0 : i32
  }
  func.func @transform_26(%arg0: i32) -> i32 {
    %add3A = arith.constant 125 : i32
    %add3A_0 = arith.addi %add3A, %arg0 : i32
    %c0_i32 = arith.constant 0 : i32
    return %add3A_0 : i32
  }
  func.func @transform_27(%arg0: i32) -> i32 {
    %add3A = arith.constant 130 : i32
    %add3A_0 = arith.addi %add3A, %arg0 : i32
    %c0_i32 = arith.constant 0 : i32
    return %add3A_0 : i32
  }
  func.func @transform_28(%arg0: i32) -> i32 {
    %add3A = arith.constant 135 : i32
    %add3A_0 = arith.addi %add3A, %arg0 : i32
    %c0_i32 = arith.constant 0 : i32
    return %add3A_0 : i32
  }
  func.func @transform_29(%arg0: i32) -> i32 {
    %add3A = arith.constant 140 : i32
    %add3A_0 = arith.addi %add3A, %arg0 : i32
    %c0_i32 = arith.constant 0 : i32
    return %add3A_0 : i32
  }
  func.func @transform_30(%arg0: i32) -> i32 {
    %add3A = arith.constant 145 : i32
    %add3A_0 = arith.addi %add3A, %arg0 : i32
    %c0_i32 = arith.constant 0 : i32
    return %add3A_0 : i32
  }
  func.func @transform_31(%arg0: i32) -> i32 {
    %add3A = arith.constant 150 : i32
    %add3A_0 = arith.addi %add3A, %arg0 : i32
    %c0_i32 = arith.constant 0 : i32
    return %add3A_0 : i32
  }
  func.func @transform_32(%arg0: i32) -> i32 {
    %add3A = arith.constant 155 : i32
    %add3A_0 = arith.addi %add3A, %arg0 : i32
    %c0_i32 = arith.constant 0 : i32
    return %add3A_0 : i32
  }
  func.func @transform_33(%arg0: i32) -> i32 {
    %add3A = arith.constant 0 : i32
    %add3A_0 = arith.addi %add3A, %arg0 : i32
    %c0_i32 = arith.constant 0 : i32
    return %add3A_0 : i32
  }
  func.func @transform_34(%arg0: i32) -> i32 {
    %add3A = arith.constant 5 : i32
    %add3A_0 = arith.addi %add3A, %arg0 : i32
    %c0_i32 = arith.constant 0 : i32
    return %add3A_0 : i32
  }
  func.func @transform_35(%arg0: i32) -> i32 {
    %add3A = arith.constant 10 : i32
    %add3A_0 = arith.addi %add3A, %arg0 : i32
    %c0_i32 = arith.constant 0 : i32
    return %add3A_0 : i32
  }
  func.func @transform_36(%arg0: i32) -> i32 {
    %add3A = arith.constant 15 : i32
    %add3A_0 = arith.addi %add3A, %arg0 : i32
    %c0_i32 = arith.constant 0 : i32
    return %add3A_0 : i32
  }
  func.func @transform_37(%arg0: i32) -> i32 {
    %add3A = arith.constant 20 : i32
    %add3A_0 = arith.addi %add3A, %arg0 : i32
    %c0_i32 = arith.constant 0 : i32
    return %add3A_0 : i32
  }
  func.func @transform_38(%arg0: i32) -> i32 {
    %add3A = arith.constant 25 : i32
    %add3A_0 = arith.addi %add3A, %arg0 : i32
    %c0_i32 = arith.constant 0 : i32
    return %add3A_0 : i32
  }
  func.func @transform_39(%arg0: i32) -> i32 {
    %add3A = arith.constant 30 : i32
    %add3A_0 = arith.addi %add3A, %arg0 : i32
    %c0_i32 = arith.constant 0 : i32
    return %add3A_0 : i32
  }
  func.func @transform_40(%arg0: i32) -> i32 {
    %add3A = arith.constant 35 : i32
    %add3A_0 = arith.addi %add3A, %arg0 : i32
    %c0_i32 = arith.constant 0 : i32
    return %add3A_0 : i32
  }
  func.func @transform_41(%arg0: i32) -> i32 {
    %add3A = arith.constant 40 : i32
    %add3A_0 = arith.addi %add3A, %arg0 : i32
    %c0_i32 = arith.constant 0 : i32
    return %add3A_0 : i32
  }
  func.func @transform_42(%arg0: i32) -> i32 {
    %add3A = arith.constant 45 : i32
    %add3A_0 = arith.addi %add3A, %arg0 : i32
    %c0_i32 = arith.constant 0 : i32
    return %add3A_0 : i32
  }
  func.func @transform_43(%arg0: i32) -> i32 {
    %add3A = arith.constant 50 : i32
    %add3A_0 = arith.addi %add3A, %arg0 : i32
    %c0_i32 = arith.constant 0 : i32
    return %add3A_0 : i32
  }
  func.func @transform_44(%arg0: i32) -> i32 {
    %add3A = arith.constant 55 : i32
    %add3A_0 = arith.addi %add3A, %arg0 : i32
    %c0_i32 = arith.constant 0 : i32
    return %add3A_0 : i32
  }
  func.func @transform_45(%arg0: i32) -> i32 {
    %add3A = arith.constant 60 : i32
    %add3A_0 = arith.addi %add3A, %arg0 : i32
    %c0_i32 = arith.constant 0 : i32
    return %add3A_0 : i32
  }
  func.func @transform_46(%arg0: i32) -> i32 {
    %add3A = arith.constant 65 : i32
    %add3A_0 = arith.addi %add3A, %arg0 : i32
    %c0_i32 = arith.constant 0 : i32
    return %add3A_0 : i32
  }
  func.func @transform_47(%arg0: i32) -> i32 {
    %add3A = arith.constant 70 : i32
    %add3A_0 = arith.addi %add3A, %arg0 : i32
    %c0_i32 = arith.constant 0 : i32
    return %add3A_0 : i32
  }
  func.func @transform_48(%arg0: i32) -> i32 {
    %add3A = arith.constant 75 : i32
    %add3A_0 = arith.addi %add3A, %arg0 : i32
    %c0_i32 = arith.constant 0 : i32
    return %add3A_0 : i32
  }
  func.func @transform_49(%arg0: i32) -> i32 {
    %add3A = arith.constant 80 : i32
    %add3A_0 = arith.addi %add3A, %arg0 : i32
    %c0_i32 = arith.constant 0 : i32
    return %add3A_0 : i32
  }
  func.func @transform_50(%arg0: i32) -> i32 {
    %add3A = arith.constant 85 : i32
    %add3A_0 = arith.addi %add3A, %arg0 : i32
    %c0_i32 = arith.constant 0 : i32
    return %add3A_0 : i32
  }
  func.func @transform_51(%arg0: i32) -> i32 {
    %add3A = arith.constant 90 : i32
    %add3A_0 = arith.addi %add3A, %arg0 : i32
    %c0_i32 = arith.constant 0 : i32
    return %add3A_0 : i32
  }
  func.func @transform_52(%arg0: i32) -> i32 {
    %add3A = arith.constant 95 : i32
    %add3A_0 = arith.addi %add3A, %arg0 : i32
    %c0_i32 = arith.constant 0 : i32
    return %add3A_0 : i32
  }
  func.func @transform_53(%arg0: i32) -> i32 {
    %add3A = arith.constant 100 : i32
    %add3A_0 = arith.addi %add3A, %arg0 : i32
    %c0_i32 = arith.constant 0 : i32
    return %add3A_0 : i32
  }
  func.func @transform_54(%arg0: i32) -> i32 {
    %add3A = arith.constant 105 : i32
    %add3A_0 = arith.addi %add3A, %arg0 : i32
    %c0_i32 = arith.constant 0 : i32
    return %add3A_0 : i32
  }
  func.func @transform_55(%arg0: i32) -> i32 {
    %add3A = arith.constant 110 : i32
    %add3A_0 = arith.addi %add3A, %arg0 : i32
    %c0_i32 = arith.constant 0 : i32
    return %add3A_0 : i32
  }
  func.func @transform_56(%arg0: i32) -> i32 {
    %add3A = arith.constant 115 : i32
    %add3A_0 = arith.addi %add3A, %arg0 : i32
    %c0_i32 = arith.constant 0 : i32
    return %add3A_0 : i32
  }
  func.func @transform_57(%arg0: i32) -> i32 {
    %add3A = arith.constant 120 : i32
    %add3A_0 = arith.addi %add3A, %arg0 : i32
    %c0_i32 = arith.constant 0 : i32
    return %add3A_0 : i32
  }
  func.func @transform_58(%arg0: i32) -> i32 {
    %add3A = arith.constant 125 : i32
    %add3A_0 = arith.addi %add3A, %arg0 : i32
    %c0_i32 = arith.constant 0 : i32
    return %add3A_0 : i32
  }
  func.func @transform_59(%arg0: i32) -> i32 {
    %add3A = arith.constant 130 : i32
    %add3A_0 = arith.addi %add3A, %arg0 : i32
    %c0_i32 = arith.constant 0 : i32
    return %add3A_0 : i32
  }
  func.func @transform_60(%arg0: i32) -> i32 {
    %add3A = arith.constant 135 : i32
    %add3A_0 = arith.addi %add3A, %arg0 : i32
    %c0_i32 = arith.constant 0 : i32
    return %add3A_0 : i32
  }
  func.func @transform_61(%arg0: i32) -> i32 {
    %add3A = arith.constant 140 : i32
    %add3A_0 = arith.addi %add3A, %arg0 : i32
    %c0_i32 = arith.constant 0 : i32
    return %add3A_0 : i32
  }
  func.func @transform_62(%arg0: i32) -> i32 {
    %add3A = arith.constant 145 : i32
    %add3A_0 = arith.addi %add3A, %arg0 : i32
    %c0_i32 = arith.constant 0 : i32
    return %add3A_0 : i32
  }
  func.func @transform_63(%arg0: i32) -> i32 {
    %add3A = arith.constant 150 : i32
    %add3A_0 = arith.addi %add3A, %arg0 : i32
    %c0_i32 = arith.constant 0 : i32
    return %add3A_0 : i32
  }
  func.func @transform_64(%arg0: i32) -> i32 {
    %add3A = arith.constant 155 : i32
    %add3A_0 = arith.addi %add3A, %arg0 : i32
    %c0_i32 = arith.constant 0 : i32
    return %add3A_0 : i32
  }
  func.func @transform_65(%arg0: i32) -> (i32, i32) {
    %c0_i32 = arith.constant 0 : i32
    %c0_i32_0 = arith.constant 0 : i32
    %c0_i32_1 = arith.constant 0 : i32
    return %c0_i32, %c0_i32_0 : i32, i32
  }
  func.func @transform_66(%arg0: i32) -> (i32, i32) {
    %c0_i32 = arith.constant 0 : i32
    %c0_i32_0 = arith.constant 0 : i32
    %c0_i32_1 = arith.constant 0 : i32
    return %c0_i32, %c0_i32_0 : i32, i32
  }
  func.func @transform_67(%arg0: i32) -> (i32, i32) {
    %c0_i32 = arith.constant 0 : i32
    %c0_i32_0 = arith.constant 0 : i32
    %c0_i32_1 = arith.constant 0 : i32
    return %c0_i32, %c0_i32_0 : i32, i32
  }
  func.func @transform_68(%arg0: i32) -> (i32, i32) {
    %c0_i32 = arith.constant 0 : i32
    %c0_i32_0 = arith.constant 0 : i32
    %c0_i32_1 = arith.constant 0 : i32
    return %c0_i32, %c0_i32_0 : i32, i32
  }
  func.func @transform_69(%arg0: i32) -> (i32, i32) {
    %c0_i32 = arith.constant 0 : i32
    %c0_i32_0 = arith.constant 0 : i32
    %c0_i32_1 = arith.constant 0 : i32
    return %c0_i32, %c0_i32_0 : i32, i32
  }
  func.func @transform_70(%arg0: i32) -> (i32, i32) {
    %c0_i32 = arith.constant 0 : i32
    %c0_i32_0 = arith.constant 0 : i32
    %c0_i32_1 = arith.constant 0 : i32
    return %c0_i32, %c0_i32_0 : i32, i32
  }
  func.func @transform_71(%arg0: i32) -> (i32, i32) {
    %c0_i32 = arith.constant 0 : i32
    %c0_i32_0 = arith.constant 0 : i32
    return %arg0, %c0_i32 : i32, i32
  }
}

</mosaic_0001>

<sc_bundles>
// kernel: kernel.4.cloned.1.call-start
scs
__scs_entry_jumppad:
0x0: {  	(pc) =	sbr.rel $0x88, $3  }
0x1: {  	(tag) =	ssettag $0x0;
	lr =	simm.s32 $0x1  }
0x2: {  	[smem:$0x3F99] =	sst lr;
	_ =	strace $0xD0000000  }
0x3: {  	_ = 	snop  }
0x4: {  	_ = 	snop  }
0x5: {  	_ = 	snop  }
0x6: {  	_ = 	snop  }
0x7: {  	_ = 	snop  }
__scs_overlays_trampoline_lowered:
0x8: {  	[smem:$0x3FA8] =	sst s0  }
0x9: {  	[smem:$0x3FA9] =	sst s1  }
0xa: {  	[smem:$0x3FAA] =	sst s2  }
0xb: {  	[smem:$0x3FAB] =	sst s3  }
0xc: {  	[smem:$0x3FAC] =	sst s4  }
0xd: {  	[smem:$0x3FAD] =	sst s5  }
0xe: {  	[smem:$0x3FAE] =	sst s6  }
0xf: {  	[smem:$0x3FAF] =	sst s7  }
0x10: {  	[smem:$0x3FB0] =	sst s8  }
0x11: {  	[smem:$0x3FB1] =	sst s9;
	s0 =	simm.s32 @!p0 $0x0  }
0x12: {  	s1 =	sld [smem:$0x3F97];
	s0 =	simm.s32 @p0 $0x1  }
0x13: {  	[smem:$0x3FB2] =	sst s0;
	s0 =	simm.s32 @!p1 $0x0  }
0x14: {  	s2 =	sld [smem:$0x3F96];
	s0 =	simm.s32 @p1 $0x1  }
0x15: {  	[smem:$0x3FB3] =	sst s0;
	s0 =	simm.s32 @!p2 $0x0  }
0x16: {  	s3 =	sld [smem:$0x3FDB];
	s0 =	simm.s32 @p2 $0x1  }
0x17: {  	s4 =	simm.s32 $0x1BF5;
	[smem:$0x3FB5] =	sst s0  }
0x18: {  	s0 =	sld [smem:$0x3F98];
	_ =	swait.ge [sflag:s4], $0x0  }
0x19: {  	s7 =	sld [smem:$0x3F99]  }
0x1a: {  	s8 =	sadd.s32 $0xFFFFE003, lr  }
0x1b: {  	s9 =	sadd.s32 $0xFFFFFEF7, lr;
	s5 =	simm.s32 $0xFFFFFFFF;
	p2 =	slt.u32 s8, $0xFFFFF086  }
0x1c: {  	p1 =	slt.u32 s9, $0xF7A;
	s5 =	simm.s32 @!p2 $0x0  }
0x1d: {  	s5 =	simm.s32 @p1 $0x1;
	p0 =	seq.s32 s7, s2  }
0x1e: {  	s7 =	smul.u32 @!p0 $0xF7A, s2;
	p2 =	seq.s32 @!p0 s5, $0x0  }
0x1f: {  	s9 =	smul.u32 $0xF7A, s1;
	s8 =	simm.s32 @!p0 $0x1BF5;
	p2 =	por !p2, p0  }
0x20: {  	[sflag:s8] =	ssyncset.s32 @!p0 $0xFFFFF086;
	s6 =	sadd.s32 @!p0 s3, s7;
	s7 =	simm.s32 @!p0 $0x108  }
0x21: {  	s3 =	sadd.s32 s3, s9;
	s6 =	sadd.s32 @!p0 $0x88, s6;
	s7 =	simm.s32 @p2 $0x1082  }
0x22: {  	[simem:s7], [sflag:s8] =	dma.local @!p0 [hbm:s6], $0xF7A  }
0x23: {  	s9 =	sor.u32 $0xD0000000, s2;
	s6 =	simm.s32 $0x108;
	_ =	swait.ge @!p0 [sflag:s8], $0x0  }
0x24: {  	s3 =	sadd.s32 $0x88, s3;
	s6 =	simm.s32 @!p1 $0x1082;
	[sflag:s4] =	ssyncset.s32 $0xFFFFF086  }
0x25: {  	[simem:s6], [sflag:s4] =	dma.local [hbm:s3], $0xF7A  }
0x26: {  	[smem:$0x3F99] =	sst s1;
	(tag) =	ssettag s2;
	_ =	strace s9  }
0x27: {  	s1 =	sld [smem:$0x3FA9]  }
0x28: {  	s2 =	sld [smem:$0x3FAA]  }
0x29: {  	s4 =	sld [smem:$0x3FAC]  }
0x2a: {  	p0 =	seq.s32 s5, $0x0;
	s5 =	sld [smem:$0x3FAD]  }
0x2b: {  	s6 =	sld [smem:$0x3FAE]  }
0x2c: {  	s7 =	sld [smem:$0x3FAF]  }
0x2d: {  	s3 =	simm.s32 $0x108;
	s8 =	sld [smem:$0x3FB0]  }
0x2e: {  	s3 =	simm.s32 @!p0 $0x1082;
	s9 =	sld [smem:$0x3FB1]  }
0x2f: {  	lr =	sadd.s32 s0, s3;
	s0 =	sld [smem:$0x3FA8]  }
0x30: {  	s3 =	sld [smem:$0x3FAB]  }
0x31: {  	[smem:$0x3FB4] =	sst s10  }
0x32: {  	s10 =	sld [smem:$0x3FB2];
	_ =	sdelay $0x3  }
0x33: {  	p0 =	seq.s32 s10, $0x1;
	s10 =	sld [smem:$0x3FB4];
	_ =	sdelay $0x3  }
0x34: {  	[smem:$0x3FB4] =	sst s10  }
0x35: {  	s10 =	sld [smem:$0x3FB3];
	_ =	sdelay $0x3  }
0x36: {  	p1 =	seq.s32 s10, $0x1;
	s10 =	sld [smem:$0x3FB4];
	_ =	sdelay $0x3  }
0x37: {  	[smem:$0x3FB4] =	sst s10  }
0x38: {  	s10 =	sld [smem:$0x3FB5]  }
0x39: {  	_ = 	snop;
	(pc) =	sbr.ind lr, $3  }
0x3a: {  	_ = 	snop  }
0x3b: {  	_ = 	snop  }
0x3c: {  	p2 =	seq.s32 s10, $0x1;
	s10 =	sld [smem:$0x3FB4]  }
0x3d: {  	_ =	shalt  }
0x3e: {  	_ =	shalt  }
0x3f: {  	_ =	shalt  }
0x40: {  	_ =	shalt  }
0x41: {  	_ =	shalt  }
0x42: {  	_ =	shalt  }
0x43: {  	_ =	shalt  }
0x44: {  	_ =	shalt  }
0x45: {  	_ =	shalt  }
0x46: {  	_ =	shalt  }
0x47: {  	_ =	shalt  }
0x48: {  	_ =	shalt  }
0x49: {  	_ =	shalt  }
0x4a: {  	_ =	shalt  }
0x4b: {  	_ =	shalt  }
0x4c: {  	_ =	shalt  }
0x4d: {  	_ =	shalt  }
0x4e: {  	_ =	shalt  }
0x4f: {  	_ =	shalt  }
0x50: {  	_ =	shalt  }
0x51: {  	_ =	shalt  }
0x52: {  	_ =	shalt  }
0x53: {  	_ =	shalt  }
0x54: {  	_ =	shalt  }
0x55: {  	_ =	shalt  }
0x56: {  	_ =	shalt  }
0x57: {  	_ =	shalt  }
0x58: {  	_ =	shalt  }
0x59: {  	_ =	shalt  }
0x5a: {  	_ =	shalt  }
0x5b: {  	_ =	shalt  }
0x5c: {  	_ =	shalt  }
0x5d: {  	_ =	shalt  }
0x5e: {  	_ =	shalt  }
0x5f: {  	_ =	shalt  }
0x60: {  	_ =	shalt  }
0x61: {  	_ =	shalt  }
0x62: {  	_ =	shalt  }
0x63: {  	_ =	shalt  }
0x64: {  	_ =	shalt  }
0x65: {  	_ =	shalt  }
0x66: {  	_ =	shalt  }
0x67: {  	_ =	shalt  }
0x68: {  	_ =	shalt  }
0x69: {  	_ =	shalt  }
0x6a: {  	_ =	shalt  }
0x6b: {  	_ =	shalt  }
0x6c: {  	_ =	shalt  }
0x6d: {  	_ =	shalt  }
0x6e: {  	_ =	shalt  }
0x6f: {  	_ =	shalt  }
0x70: {  	_ =	shalt  }
0x71: {  	_ =	shalt  }
0x72: {  	_ =	shalt  }
0x73: {  	_ =	shalt  }
0x74: {  	_ =	shalt  }
0x75: {  	_ =	shalt  }
0x76: {  	_ =	shalt  }
0x77: {  	_ =	shalt  }
0x78: {  	_ =	shalt  }
0x79: {  	_ =	shalt  }
0x7a: {  	_ =	shalt  }
0x7b: {  	_ =	shalt  }
0x7c: {  	_ =	shalt  }
0x7d: {  	_ =	shalt  }
0x7e: {  	_ =	shalt  }
0x7f: {  	_ =	shalt  }
0x80: {  	_ =	shalt  }
0x81: {  	_ =	shalt  }
0x82: {  	_ =	shalt  }
0x83: {  	_ =	shalt  }
0x84: {  	_ =	shalt  }
0x85: {  	_ =	shalt  }
0x86: {  	_ =	shalt  }
0x87: {  	_ =	shalt  }
.Lfunc_end0:
.L_simem_size_0:
called_computation_lowered:
.L_overlay_start_0:
0x88: {  	s2 =	sld [smem:$0x3FD9]  }
0x89: {  	s3 =	sld [smem:$0x3FFE];
	_ =	sdelay $0x1  }
0x8a: {  	s1 =	srdreg.scid  }
0x8b: {  	s0 =	sand.u32 $0x1, s1  }
0x8c: {  	s17 =	sshll.u32 s0, $0xA;
	s2 =	sadd.s32 s3, s2  }
0x8d: {  	s2 =	sadd.s32 s2, s17  }
0x8e: {  	[smem:$0x3FC0] =	sst s2  }
0x8f: {  	_ = 	snop  }
0x90: {  	s2 =	sld [smem:$0x3FC9]  }
0x91: {  	s18 =	sld [smem:$0x3FC8];
	(tm) =	ssettm $0x1  }
0x92: {  	s4 =	sld [smem:$0x3FFB];
	_ =	sdelay $0x3  }
0x93: {  	_ =	strace s4  }
0x94: {  	s4 =	sld [smem:$0x3FFC];
	_ =	sdelay $0x3  }
0x95: {  	_ =	strace s4  }
0x96: {  	s4 =	sld [smem:$0x3FFD];
	_ =	sdelay $0x3  }
0x97: {  	_ =	strace s4  }
0x98: {  	_ =	strace $0x8FFFFFFF  }
0x99: {  	s19 =	sld [smem:$0x3FDB];
	_ =	sdelay $0x1  }
0x9a: {  	s5 =	simm.s32 $_scs_section_size  }
0x9b: {  	s6 =	simm.s32 $_size__tile_overlayer_lowered;
	s7 =	simm.s32 $_tile_overlayer_lowered  }
0x9c: {  	s22 =	simm.s32 $0x1BFF;
	s21 =	sshll.u32 s7, $0x1;
	s4 =	sadd.s32 s5, s19  }
0x9d: {  	s8 =	simm.s32 $0x0;
	s20 =	sshll.u32 s6, $0x1;
	s6 =	sadd.s32 s21, s4  }
0x9e: {  	[timem:s8], [sflag:s22] =	dma.local [hbm:s6], s20  }
0x9f: {  	_ =	swait.ge [sflag:s22], s20  }
0xa0: {  	s5 =	ssub.s32 $0x0, s20;
	[sflag:s22] =	ssyncset.done $0x0  }
0xa1: {  	[sflag:s22] =	ssyncadd.s32 s5;
	_ =	sdelay $0x1  }
0xa2: {  	s23 =	simm.s32 $0x1B8B  }
0xa3: {  	_ =	swait.ge [sflag:s23], $0x1  }
0xa4: {  	[sflag:s23] =	ssyncset.done $0x0  }
0xa5: {  	s25 =	simm.s32 $0x1B8E;
	s24 =	sld [smem:$0x3FFE];
	[sflag:s23] =	ssyncadd.s32 $0xFFFFFFFF  }
0xa6: {  	s26 =	simm.s32 $execute0_lowered;
	[smem:$0x3FD2] =	sst s25  }
0xa7: {  	s6 =	sshll.u32 s26, $0x1;
	_ =	strace $0x80000046;
	[dreg:$0x1] =	wrdreg $0xFFFFFFFF  }
0xa8: {  	s28 =	simm.s32 $_size_execute0_lowered;
	s4 =	sadd.s32 s4, s6;
	[dreg:$0x0] =	wrdreg $0x0  }
0xa9: {  	s6 =	sshll.u32 s28, $0x1;
	[dreg:$0x2] =	wrdreg s4  }
0xaa: {  	[dreg:$0x3] =	wrdreg s6  }
0xab: {  	[dreg:$0x4] =	wrdreg $0xC0  }
0xac: {  	_ =	task [dreg:s8], $0x5FFFF  }
0xad: {  	[dreg:$0x1] =	wrdreg $0xFFFFFFFF  }
0xae: {  	[dreg:$0x0] =	wrdreg $0x60  }
0xaf: {  	[dreg:$0x2] =	wrdreg s2  }
0xb0: {  	[dreg:$0x3] =	wrdreg s18  }
0xb1: {  	[dreg:$0x4] =	wrdreg s24  }
0xb2: {  	[dreg:$0x5] =	wrdreg $0x9  }
0xb3: {  	_ =	task.clear_ibuf [dreg:s8], $0x6FFFF;
	_ =	strace $0x90000046  }
0xb4: {  	s29 =	simm.s32 $0x9;
	_ =	strace $0x80000048  }
0xb5: {  	_ =	swait.ge [sflag:s29], $0x1  }
0xb6: {  	[sflag:s29] =	ssyncadd.s32 $0xFFFFFFFF  }
0xb7: {  	_ =	strace $0x90000048  }
0xb8: {  	_ =	sfence  }
0xb9: {  	s30 =	sld [smem:$0x0];
	_ =	sdelay $0x2  }
0xba: {  	s31 =	sshll.u32 s1, $0xD;
	s1 =	sshrl.u32 s1, $0x2  }
0xbb: {  	s3 =	sand.u32 $0x4000, s31;
	s1 =	sadd.s32 s1, s30  }
0xbc: {  	s0 =	sor.u32 s3, s0;
	s1 =	sshll.u32 s1, $0x11  }
0xbd: {  	s0 =	sor.u32 s1, s0  }
0xbe: {  	s0 =	sadd.s32 $0x8F2B, s0  }
0xbf: {  	[sflag:s0] =	ssyncadd.remote.s32 $0x1  }
0xc0: {  	_ =	sfence.sel $0xFFFF  }
0xc1: {  	[dreg:$0x0] =	wrdreg $0xFFFFFFFF;
	(pc) =	sbr.abs _section_cstart, $3  }
0xc2: {  	[dreg:$0x1] =	wrdreg $0xFFFFFFFF  }
0xc3: {  	_ =	task.clear_ibuf [dreg:s8], $0x2FFFF;
	_ =	strace $0x9FFFFFFF  }
0xc4: {  	(tm) =	ssettm $0x7FFFFFFF  }
0xc5: {  	_ =	shalt  }
tec
execute0_lowered:
.L_overlay_start_1:
0x0: {  	(tag) =	ssettag $0x1  }
0x1: {  	s0 =	rddreg [dreg:$0x0]  }
0x2: {  	s1 =	srdreg.scid;
	s5 =	rddreg [dreg:$0x1]  }
0x3: {  	s9 =	stileid.u32;
	s4 =	rddreg [dreg:$0x2]  }
0x4: {  	s2 =	simm.s32 $0x0;
	s10 =	simm.s32 $0x4F80;
	s11 =	simm.s32 $0x7780  }
0x5: {  	s12 =	simm.s32 $0x2;
	s3 =	sand.u32 $0x1, s1;
	s1 =	rddreg [dreg:$0x3]  }
0x6: {  	s13 =	simm.s32 $0x0;
	s28 =	sshll.u32 s9, $0x1;
	[smem:$0x7FF] =	sst s2  }
0x7: {  	p0 =	seq.s32 s9, $0x0;
	s6 =	sor.u32 s3, s28;
	s31 =	smul.u32 $0x500, s3  }
0x8: {  	s8 =	ssub.s32 $0x2, s3;
	_ =	strace $0x80000047;
	s7 =	smul.u32 $0x500, s6  }
0x9: {  	s3 =	simm.s32 $0x28;
	s6 =	smul.u32 $0x1380, s6;
	s29 =	sshrl.u32 s8, $0x1  }
0xa: {  	s3 =	simm.s32 @!p0 $0x27;
	p0 =	sne.s32 s9, $0x0;
	s9 =	simm.s32 $0x1  }
0xb: {  	s8 =	ssub.s32 s8, s29;
	s7 =	sadd.s32 s7, s4;
	s30 =	sshrl.u32 s6, $0x2  }
0xc: {  	s8 =	smax.u32 s8, $0x1;
	s4 =	sadd.s32 s5, s30;
	s5 =	sadd.s32 s5, s31  }
0xd: {  	v0 =	vimm.f32 $0.0e+00;
	v1 =	vimm.f32 $1.000000000e+00;
	s6 =	sadd.s32 $0x1A00, s7;
	s7 =	sadd.s32 $0xBA00, s7;
	s4 =	sadd.s32 $0x40, s4  }
.LBB2_1:
0xe: {  	[tilespmem:s2], [sflag:$0x1] =	stream.linear.gather [hbm4b:s0+s2], $0x2780, $0x38;
	[tilespmem:$0x9F80] =	vst v63  }
0xf: {  	s14 =	simm.s32 @p0 $0x0;
	s15 =	simm.s32 @p0 $0x2780  }
0x10: {  	[tilespmem:s15], [sflag:$0x2] =	stream.linear.gather @p0 [hbm4b:s4+s14], $0x2700, $0x38;
	[tilespmem:$0x9F80] =	vst v63  }
0x11: {  	s14 =	simm.s32 @p0 $0x2  }
0x12: {  	_ =	swait.ge @p0 [sflag:s14], $0x2700  }
0x13: {  	[sflag:s14] =	ssyncset.done @p0 $0x0  }
0x14: {  	s15 =	simm.s32 @!p0 $0x2780;
	[sflag:s14] =	ssyncadd.s32 @p0 $0xFFFFD900;
	s14 =	simm.s32 @!p0 $0x0  }
0x15: {  	[tilespmem:s15], [sflag:$0x2] =	stream.linear.gather @!p0 [hbm4b:s5+s14], $0x2800, $0x38;
	[tilespmem:$0x9F80] =	vst v63  }
0x16: {  	s14 =	simm.s32 @!p0 $0x2  }
0x17: {  	_ =	swait.ge @!p0 [sflag:s14], $0x2800  }
0x18: {  	[sflag:s14] =	ssyncset.done @!p0 $0x0  }
0x19: {  	s15 =	simm.s32 $0x200;
	[sflag:s14] =	ssyncadd.s32 @!p0 $0xFFFFD800;
	s14 =	simm.s32 $0x0  }
.LBB2_2:
0x1a: {  	p1 =	sne.s32 s15, $0x9E00;
	[tilespmem:s14+$0x77F0] =	vst v0  }
0x1b: {  	[tilespmem:s14+$0x4F80] =	vst v0  }
0x1c: {  	[tilespmem:s14+$0x7780] =	vst v0  }
0x1d: {  	[tilespmem:s14+$0x4F90] =	vst v0  }
0x1e: {  	[tilespmem:s14+$0x7790] =	vst v0  }
0x1f: {  	[tilespmem:s14+$0x4FA0] =	vst v0  }
0x20: {  	[tilespmem:s14+$0x77A0] =	vst v0  }
0x21: {  	[tilespmem:s14+$0x4FB0] =	vst v0  }
0x22: {  	[tilespmem:s14+$0x77B0] =	vst v0  }
0x23: {  	[tilespmem:s14+$0x4FC0] =	vst v0  }
0x24: {  	[tilespmem:s14+$0x77C0] =	vst v0  }
.Ltmp0:
0x25: {  	[tilespmem:s14+$0x4FD0] =	vst v0;
	(pc) =	sbr.rel @p1 .LBB2_2-.Ltmp0, $4  }
0x26: {  	[tilespmem:s14+$0x77D0] =	vst v0  }
0x27: {  	[tilespmem:s14+$0x4FE0] =	vst v0  }
0x28: {  	[tilespmem:s14+$0x77E0] =	vst v0  }
0x29: {  	[tilespmem:s14+$0x4FF0] =	vst v0;
	s14 =	sshra.s32 s15, $0x2;
	s15 =	sadd.s32 $0x200, s15  }
0x2a: {  	[tilespmem:s14+$0x77F0] =	vst v0  }
0x2b: {  	[tilespmem:s14+$0x4F80] =	vst v0  }
0x2c: {  	[tilespmem:s14+$0x7780] =	vst v0  }
0x2d: {  	[tilespmem:s14+$0x4F90] =	vst v0  }
0x2e: {  	[tilespmem:s14+$0x7790] =	vst v0  }
0x2f: {  	[tilespmem:s14+$0x4FA0] =	vst v0  }
0x30: {  	[tilespmem:s14+$0x77A0] =	vst v0  }
0x31: {  	[tilespmem:s14+$0x4FB0] =	vst v0  }
0x32: {  	[tilespmem:s14+$0x77B0] =	vst v0  }
0x33: {  	[tilespmem:s14+$0x4FC0] =	vst v0  }
0x34: {  	[tilespmem:s14+$0x77C0] =	vst v0  }
0x35: {  	[tilespmem:s14+$0x4FD0] =	vst v0  }
0x36: {  	[tilespmem:s14+$0x77D0] =	vst v0  }
0x37: {  	[tilespmem:s14+$0x4FE0] =	vst v0  }
0x38: {  	[tilespmem:s14+$0x77E0] =	vst v0  }
0x39: {  	[tilespmem:s14+$0x4FF0] =	vst v0  }
0x3a: {  	_ =	swait.ge [sflag:s9], $0x2780  }
0x3b: {  	[sflag:s9] =	ssyncset.done $0x0  }
0x3c: {  	s14 =	simm.s32 $0x2800;
	s15 =	smov.u32 s3;
	[sflag:s9] =	ssyncadd.s32 $0xFFFFD880  }
.LBB2_4:
0x3d: {  	v2 =	vld [tilespmem:s14+$0x0]  }
0x3e: {  	v3 =	vld [tilespmem:s14+$0xFFFFFF80];
	_ =	sdelay $0x6  }
0x3f: {  	v4 =	vld.idx.msk [tilespmem:v2+s2+$0x0], $0xffff  }
0x40: {  	v5 =	vld.idx.msk [tilespmem:v3+s2+$0x0], $0xffff;
	_ =	sdelay $0x3  }
0x41: {  	[tilespmem:v3+s10+$0x0] =	vst.idx.add.f32.msk $0xffff, v4  }
0x42: {  	[tilespmem:v2+s10+$0x0] =	vst.idx.add.f32.msk $0xffff, v5  }
0x43: {  	[tilespmem:v3+s11+$0x0] =	vst.idx.add.f32.msk $0xffff, v1  }
0x44: {  	[tilespmem:v2+s11+$0x0] =	vst.idx.add.f32.msk $0xffff, v1  }
0x45: {  	v2 =	vld [tilespmem:s14+$0x10]  }
0x46: {  	v3 =	vld [tilespmem:s14+$0xFFFFFF90];
	_ =	sdelay $0x6  }
0x47: {  	v4 =	vld.idx.msk [tilespmem:v2+s2+$0x0], $0xffff  }
0x48: {  	v5 =	vld.idx.msk [tilespmem:v3+s2+$0x0], $0xffff;
	_ =	sdelay $0x3  }
0x49: {  	[tilespmem:v3+s10+$0x0] =	vst.idx.add.f32.msk $0xffff, v4  }
0x4a: {  	[tilespmem:v2+s10+$0x0] =	vst.idx.add.f32.msk $0xffff, v5  }
0x4b: {  	[tilespmem:v3+s11+$0x0] =	vst.idx.add.f32.msk $0xffff, v1  }
0x4c: {  	[tilespmem:v2+s11+$0x0] =	vst.idx.add.f32.msk $0xffff, v1  }
0x4d: {  	v2 =	vld [tilespmem:s14+$0x20]  }
0x4e: {  	v3 =	vld [tilespmem:s14+$0xFFFFFFA0];
	_ =	sdelay $0x6  }
0x4f: {  	v4 =	vld.idx.msk [tilespmem:v2+s2+$0x0], $0xffff  }
0x50: {  	v5 =	vld.idx.msk [tilespmem:v3+s2+$0x0], $0xffff;
	_ =	sdelay $0x3  }
0x51: {  	[tilespmem:v3+s10+$0x0] =	vst.idx.add.f32.msk $0xffff, v4  }
0x52: {  	[tilespmem:v2+s10+$0x0] =	vst.idx.add.f32.msk $0xffff, v5  }
0x53: {  	[tilespmem:v3+s11+$0x0] =	vst.idx.add.f32.msk $0xffff, v1  }
0x54: {  	[tilespmem:v2+s11+$0x0] =	vst.idx.add.f32.msk $0xffff, v1  }
0x55: {  	v2 =	vld [tilespmem:s14+$0x30]  }
0x56: {  	v3 =	vld [tilespmem:s14+$0xFFFFFFB0];
	_ =	sdelay $0x6  }
0x57: {  	v4 =	vld.idx.msk [tilespmem:v2+s2+$0x0], $0xffff  }
0x58: {  	v5 =	vld.idx.msk [tilespmem:v3+s2+$0x0], $0xffff;
	_ =	sdelay $0x3  }
0x59: {  	[tilespmem:v3+s10+$0x0] =	vst.idx.add.f32.msk $0xffff, v4  }
0x5a: {  	[tilespmem:v2+s10+$0x0] =	vst.idx.add.f32.msk $0xffff, v5  }
0x5b: {  	[tilespmem:v3+s11+$0x0] =	vst.idx.add.f32.msk $0xffff, v1  }
0x5c: {  	[tilespmem:v2+s11+$0x0] =	vst.idx.add.f32.msk $0xffff, v1  }
0x5d: {  	v2 =	vld [tilespmem:s14+$0x40]  }
0x5e: {  	v3 =	vld [tilespmem:s14+$0xFFFFFFC0];
	_ =	sdelay $0x6  }
0x5f: {  	v4 =	vld.idx.msk [tilespmem:v2+s2+$0x0], $0xffff  }
0x60: {  	v5 =	vld.idx.msk [tilespmem:v3+s2+$0x0], $0xffff;
	_ =	sdelay $0x3  }
0x61: {  	[tilespmem:v3+s10+$0x0] =	vst.idx.add.f32.msk $0xffff, v4  }
0x62: {  	[tilespmem:v2+s10+$0x0] =	vst.idx.add.f32.msk $0xffff, v5  }
0x63: {  	[tilespmem:v3+s11+$0x0] =	vst.idx.add.f32.msk $0xffff, v1  }
0x64: {  	[tilespmem:v2+s11+$0x0] =	vst.idx.add.f32.msk $0xffff, v1  }
0x65: {  	v2 =	vld [tilespmem:s14+$0x50]  }
0x66: {  	v3 =	vld [tilespmem:s14+$0xFFFFFFD0];
	_ =	sdelay $0x6  }
0x67: {  	v4 =	vld.idx.msk [tilespmem:v2+s2+$0x0], $0xffff  }
0x68: {  	v5 =	vld.idx.msk [tilespmem:v3+s2+$0x0], $0xffff;
	_ =	sdelay $0x3  }
0x69: {  	[tilespmem:v3+s10+$0x0] =	vst.idx.add.f32.msk $0xffff, v4  }
0x6a: {  	[tilespmem:v2+s10+$0x0] =	vst.idx.add.f32.msk $0xffff, v5  }
0x6b: {  	[tilespmem:v3+s11+$0x0] =	vst.idx.add.f32.msk $0xffff, v1  }
0x6c: {  	[tilespmem:v2+s11+$0x0] =	vst.idx.add.f32.msk $0xffff, v1  }
0x6d: {  	v2 =	vld [tilespmem:s14+$0x60]  }
0x6e: {  	v3 =	vld [tilespmem:s14+$0xFFFFFFE0];
	_ =	sdelay $0x6  }
0x6f: {  	v4 =	vld.idx.msk [tilespmem:v2+s2+$0x0], $0xffff  }
0x70: {  	v5 =	vld.idx.msk [tilespmem:v3+s2+$0x0], $0xffff;
	_ =	sdelay $0x3  }
0x71: {  	[tilespmem:v3+s10+$0x0] =	vst.idx.add.f32.msk $0xffff, v4  }
0x72: {  	[tilespmem:v2+s10+$0x0] =	vst.idx.add.f32.msk $0xffff, v5  }
0x73: {  	[tilespmem:v3+s11+$0x0] =	vst.idx.add.f32.msk $0xffff, v1  }
0x74: {  	[tilespmem:v2+s11+$0x0] =	vst.idx.add.f32.msk $0xffff, v1  }
0x75: {  	v2 =	vld [tilespmem:s14+$0x70]  }
0x76: {  	v3 =	vld [tilespmem:s14+$0xFFFFFFF0];
	_ =	sdelay $0x6  }
0x77: {  	v4 =	vld.idx.msk [tilespmem:v2+s2+$0x0], $0xffff  }
0x78: {  	v5 =	vld.idx.msk [tilespmem:v3+s2+$0x0], $0xffff;
	_ =	sdelay $0x1  }
0x79: {  	p1 =	sne.s32 s15, $0x1  }
.Ltmp1:
0x7a: {  	_ = 	snop;
	(pc) =	sbr.rel @p1 .LBB2_4-.Ltmp1, $4  }
0x7b: {  	[tilespmem:v3+s10+$0x0] =	vst.idx.add.f32.msk $0xffff, v4  }
0x7c: {  	[tilespmem:v2+s10+$0x0] =	vst.idx.add.f32.msk $0xffff, v5  }
0x7d: {  	[tilespmem:v3+s11+$0x0] =	vst.idx.add.f32.msk $0xffff, v1  }
0x7e: {  	s15 =	sadd.s32 $0xFFFFFFFF, s15;
	s14 =	sadd.s32 $0x100, s14;
	[tilespmem:v2+s11+$0x0] =	vst.idx.add.f32.msk $0xffff, v1  }
0x7f: {  	[hbm4b:s6+s2] =	stream.linear.scatter [tilespmem:s10], [sflag:$0x1], $0x2800, $0x38;
	[tilespmem:$0x9F80] =	vst v63  }
0x80: {  	s13 =	sadd.s32 $0x1, s13  }
0x81: {  	[hbm4b:s7+s2] =	stream.linear.scatter [tilespmem:s11], [sflag:$0x2], $0x2800, $0x38;
	[tilespmem:$0x9F80] =	vst v63  }
0x82: {  	p1 =	sne.s32 s13, s8;
	_ =	swait.ge [sflag:s9], $0x2800  }
.Ltmp2:
0x83: {  	[sflag:s9] =	ssyncset.done $0x0;
	(pc) =	sbr.rel @p1 .LBB2_1-.Ltmp2, $4  }
0x84: {  	[sflag:s9] =	ssyncadd.s32 $0xFFFFD800  }
0x85: {  	_ =	swait.ge [sflag:s12], $0x2800  }
0x86: {  	[sflag:s12] =	ssyncset.done $0x0  }
0x87: {  	[sflag:s12] =	ssyncadd.s32 $0xFFFFD800  }
0x88: {  	_ =	sfence.sel $0x180000  }
0x89: {  	[bflag:$0x0] =	sbarrier.arrive $0xFFFF  }
0x8a: {  	_ =	strace $0x90000047  }
0x8b: {  	s0 =	sadd.s32 @!p0 $0x100000, s1;
	[bflag:$0x2] =	sbarrier.arrive $0xFFFF  }
0x8c: {  	[sflag:s0] =	ssyncadd.tile.s32 @!p0 $0x1;
	_ =	shalt  }
.Lfunc_end2:
_tile_overlayer_lowered:
.L_overlay_start_2:
0x8d: {  	(tag) =	ssettag $0x2  }
0x8e: {  	s0 =	rddreg [dreg:$0x0];
	s2 =	stileid.u32  }
0x8f: {  	s1 =	rddreg [dreg:$0x1];
	p0 =	sne.s32 s2, $0x0  }
0x90: {  	s3 =	rddreg [dreg:$0x2];
	[bflag:$0x3] =	sbarrier.arrive $0xFFFF;
	s2 =	simm.s32 @!p0 $0x1C03  }
0x91: {  	[timem:s3], [sflag:s2] =	dma.local @!p0 [hbm:s0], s1  }
0x92: {  	s0 =	simm.s32 @!p0 $0x3  }
0x93: {  	_ =	swait.ge @!p0 [sflag:s0], s1  }
0x94: {  	s1 =	ssub.s32 @!p0 $0x0, s1;
	[sflag:s0] =	ssyncset.done @!p0 $0x0  }
0x95: {  	[sflag:s0] =	ssyncadd.s32 @!p0 s1  }
0x96: {  	[bflag:$0x3] =	sbarrier.arrive $0xFFFF  }
0x97: {  	_ =	shalt  }

</sc_bundles>
